<compile_context>
chip_gen: v7x
topology: tpu7x:2x2x1
jax: 0.10.2.dev20260603
libtpu: 0.0.44.dev20260713+nightly
codegen_flags: <defaults>
</compile_context>

<pallas_src>
import functools

import jax
import jax.numpy as jnp
from jax import lax
from jax.experimental import pallas as pl
from jax.experimental.pallas import tpu as pltpu
from jax.experimental.pallas import tpu_sc as plsc

K = 20
NW = 32
PBLK = 32



def _pd_body(x_ref, pd_ref):
    g = x_ref[0]
    gram = lax.dot_general(g, g, (((0,), (0,)), ((), ())),
                           preferred_element_type=jnp.float32)
    xx = jnp.sum(g * g, axis=0)
    pd_ref[0] = 2.0 * gram - xx[:, None] - xx[None, :]


def _apply_body(cmax_ref, st_ref, x_ref):
    pre = (cmax_ref[0] - st_ref[0][None, :]) * st_ref[1][None, :]
    x_ref[0] = jnp.where(pre > 0, pre, 0.2 * pre)


def _apply_yz_body(cmax_ref, st_ref, wa_ref, wd_ref, x_ref, y_ref, z_ref):
    pre = (cmax_ref[0] - st_ref[0][None, :]) * st_ref[1][None, :]
    xt = jnp.where(pre > 0, pre, 0.2 * pre)
    x_ref[0] = xt
    y_ref[0] = lax.dot_general(xt, wa_ref[...], (((1,), (1,)), ((), ())),
                               preferred_element_type=jnp.float32)
    z_ref[0] = lax.dot_general(xt, wd_ref[...], (((1,), (1,)), ((), ())),
                               preferred_element_type=jnp.float32)


def _convstats_body(he_ref, w_ref, cmax_ref, st_ref, acc_ref,
                    *, nk_total, n, k):
    b = pl.program_id(0)

    @pl.when(b == 0)
    def _():
        acc_ref[...] = jnp.zeros_like(acc_ref)

    conv_a = lax.dot_general(he_ref[0], w_ref[...], (((1,), (1,)), ((), ())),
                             preferred_element_type=jnp.float32)
    conv = conv_a.reshape(n, k, conv_a.shape[-1])
    cmax_ref[0] = jnp.max(conv, axis=1)
    acc_ref[0] += jnp.sum(conv, axis=(0, 1))
    acc_ref[1] += jnp.sum(conv * conv, axis=(0, 1))

    @pl.when(b == pl.num_programs(0) - 1)
    def _():
        mean = acc_ref[0] / nk_total
        var = acc_ref[1] / nk_total - mean * mean
        st_ref[0] = mean
        st_ref[1] = lax.rsqrt(var + 1e-5)


def _stats_body(gsum_ref, z_ref, qp_ref, st_ref, acc_ref, *, nk_total):
    b = pl.program_id(0)

    @pl.when(b == 0)
    def _():
        acc_ref[...] = jnp.zeros_like(acc_ref)

    gs = gsum_ref[0]
    zz = z_ref[0]
    acc_ref[0] += jnp.sum(gs, axis=0)
    acc_ref[1] += jnp.sum(zz, axis=0)
    acc_ref[2] += jnp.sum(zz * zz, axis=0)
    acc_ref[3] += jnp.sum(zz * gs, axis=0)

    @pl.when(b == pl.num_programs(0) - 1)
    def _():
        q = jnp.sum(qp_ref[...], axis=0)
        mean = (acc_ref[0] + K * acc_ref[1]) / nk_total
        e2 = (q + 2.0 * acc_ref[3] + K * acc_ref[2]) / nk_total
        var = e2 - mean * mean
        st_ref[0] = mean
        st_ref[1] = lax.rsqrt(var + 1e-5)


def _conv5_body(x4_ref, x1_ref, x2_ref, x3_ref, w5_ref,
                h_ref, st5_ref, acc_ref, *, n_total):
    b = pl.program_id(0)

    @pl.when(b == 0)
    def _():
        acc_ref[...] = jnp.zeros_like(acc_ref)

    x4 = x4_ref[0]
    w5 = w5_ref[...]
    h = lax.dot_general(x1_ref[0], w5[:, 0:64], (((1,), (1,)), ((), ())),
                        preferred_element_type=jnp.float32)
    h += lax.dot_general(x2_ref[0], w5[:, 64:128], (((1,), (1,)), ((), ())),
                         preferred_element_type=jnp.float32)
    h += lax.dot_general(x3_ref[0], w5[:, 128:256], (((1,), (1,)), ((), ())),
                         preferred_element_type=jnp.float32)
    h += lax.dot_general(x4, w5[:, 256:512], (((1,), (1,)), ((), ())),
                         preferred_element_type=jnp.float32)
    h_ref[0] = h
    acc_ref[0] += jnp.sum(h, axis=0)
    acc_ref[1] += jnp.sum(h * h, axis=0)

    @pl.when(b == pl.num_programs(0) - 1)
    def _():
        m = acc_ref[0] / n_total
        var = acc_ref[1] / n_total - m * m
        st5_ref[0] = m
        st5_ref[1] = lax.rsqrt(var + 1e-5)


def _pool_body(h_ref, st5_ref, f_ref):
    hn = (h_ref[0] - st5_ref[0][None, :]) * st5_ref[1][None, :]
    hn = jnp.where(hn > 0, hn, 0.2 * hn)
    f_ref[0, 0, 0:1024] = jnp.max(hn, axis=0)
    f_ref[0, 0, 1024:2048] = jnp.mean(hn, axis=0)


def _head_body(f_ref, l1_ref, l2_ref, bl2_ref, l3_ref, bl3_ref, out_ref):
    def bn0(t):
        m = jnp.mean(t, axis=0)
        v = jnp.mean(t * t, axis=0) - m * m
        return (t - m[None, :]) * lax.rsqrt(v + 1e-5)[None, :]

    h = lax.dot_general(f_ref[...], l1_ref[...], (((1,), (1,)), ((), ())),
                        preferred_element_type=jnp.float32)
    h = bn0(h)
    h = jnp.where(h > 0, h, 0.2 * h)
    h = lax.dot_general(h, l2_ref[...], (((1,), (1,)), ((), ())),
                        preferred_element_type=jnp.float32) + bl2_ref[...][None, :]
    h = bn0(h)
    h = jnp.where(h > 0, h, 0.2 * h)
    out_ref[...] = lax.dot_general(h, l3_ref[...], (((1,), (1,)), ((), ())),
                                   preferred_element_type=jnp.float32) + bl3_ref[...][None, :]



def _sc_gather(xt_flat, gidx, C, BN):
    pts_per_tile = BN // NW
    nblk = pts_per_tile // PBLK
    mesh = plsc.VectorSubcoreMesh(core_axis_name="c", subcore_axis_name="s")

    @functools.partial(
        pl.kernel, mesh=mesh,
        compiler_params=pltpu.CompilerParams(use_tc_tiling_on_sc=False),
        out_type=jax.ShapeDtypeStruct((BN * K, C), jnp.float32),
        scratch_types=[
            pltpu.VMEM((PBLK * K,), jnp.int32),
            pltpu.VMEM((PBLK * K, C), jnp.float32),
            pltpu.SemaphoreType.DMA,
        ],
    )
    def k(x_hbm, idx_hbm, f_hbm, idx_v, rows_v, sem):
        wid = lax.axis_index("s") * 2 + lax.axis_index("c")
        base_pt = wid * pts_per_tile

        def blk_body(blk, carry):
            pt0 = base_pt + blk * PBLK
            pltpu.sync_copy(idx_hbm.at[pl.ds(pt0 * K, PBLK * K)], idx_v)
            pltpu.async_copy(x_hbm.at[idx_v], rows_v, sem).wait()
            pltpu.sync_copy(rows_v, f_hbm.at[pl.ds(pt0 * K, PBLK * K), :])
            return carry

        lax.fori_loop(0, nblk, blk_body, 0)

    return k(xt_flat, gidx)


def _sc_gather_sub(xt_flat, gidx, C, BN):
    pts_per_tile = BN // NW
    nblk = pts_per_tile // PBLK
    nj = C // 16
    mesh = plsc.VectorSubcoreMesh(core_axis_name="c", subcore_axis_name="s")

    @functools.partial(
        pl.kernel, mesh=mesh,
        compiler_params=pltpu.CompilerParams(use_tc_tiling_on_sc=False),
        out_type=jax.ShapeDtypeStruct((BN * K, 2 * C), jnp.float32),
        scratch_types=[
            pltpu.VMEM((PBLK * K,), jnp.int32),
            pltpu.VMEM((PBLK * K, C), jnp.float32),
            pltpu.VMEM((PBLK, C), jnp.float32),
            pltpu.VMEM((PBLK * K, 2 * C), jnp.float32),
            pltpu.SemaphoreType.DMA,
        ],
    )
    def k(x_hbm, idx_hbm, he_hbm, idx_v, rows_v, xi_v, he_v, sem):
        wid = lax.axis_index("s") * 2 + lax.axis_index("c")
        base_pt = wid * pts_per_tile

        def blk_body(blk, carry):
            pt0 = base_pt + blk * PBLK
            pltpu.sync_copy(idx_hbm.at[pl.ds(pt0 * K, PBLK * K)], idx_v)
            pltpu.sync_copy(x_hbm.at[pl.ds(pt0, PBLK), :], xi_v)
            pltpu.async_copy(x_hbm.at[idx_v], rows_v, sem).wait()

            def pt_body(p, c2):
                r0 = p * K
                for j in range(nj):
                    sl = pl.ds(j * 16, 16)
                    sl2 = pl.ds(C + j * 16, 16)
                    xi = xi_v[p, sl]
                    for k2 in range(K):
                        he_v[r0 + k2, sl] = rows_v[r0 + k2, sl] - xi
                        he_v[r0 + k2, sl2] = xi
                return c2

            lax.fori_loop(0, PBLK, pt_body, 0)
            pltpu.sync_copy(he_v, he_hbm.at[pl.ds(pt0 * K, PBLK * K), :])
            return carry

        lax.fori_loop(0, nblk, blk_body, 0)

    return k(xt_flat, gidx)


def _sc_gather_reduce(y_flat, gidx, O, BN):
    pts_per_tile = BN // NW
    nblk = pts_per_tile // PBLK
    nj = O // 16
    mesh = plsc.VectorSubcoreMesh(core_axis_name="c", subcore_axis_name="s")

    @functools.partial(
        pl.kernel, mesh=mesh,
        compiler_params=pltpu.CompilerParams(use_tc_tiling_on_sc=False),
        out_type=(jax.ShapeDtypeStruct((BN, O), jnp.float32),
                  jax.ShapeDtypeStruct((BN, O), jnp.float32),
                  jax.ShapeDtypeStruct((NW, O), jnp.float32)),
        scratch_types=[
            pltpu.VMEM((PBLK * K,), jnp.int32),
            pltpu.VMEM((PBLK * K, O), jnp.float32),
            pltpu.VMEM((PBLK, O), jnp.float32),
            pltpu.VMEM((PBLK, O), jnp.float32),
            pltpu.VMEM((O,), jnp.float32),
            pltpu.SemaphoreType.DMA,
        ],
    )
    def k(y_hbm, idx_hbm, gmax_hbm, gsum_hbm, qp_hbm,
          idx_v, rows_v, mx_v, sm_v, q_v, sem):
        wid = lax.axis_index("s") * 2 + lax.axis_index("c")
        base_pt = wid * pts_per_tile
        for j in range(nj):
            q_v[pl.ds(j * 16, 16)] = jnp.zeros((16,), jnp.float32)

        def blk_body(blk, carry):
            pt0 = base_pt + blk * PBLK
            pltpu.sync_copy(idx_hbm.at[pl.ds(pt0 * K, PBLK * K)], idx_v)
            pltpu.async_copy(y_hbm.at[idx_v], rows_v, sem).wait()

            def pt_body(p, c2):
                r0 = p * K
                for j in range(nj):
                    sl = pl.ds(j * 16, 16)
                    v = rows_v[r0, sl]
                    m = v
                    s = v
                    q = v * v
                    for k2 in range(1, K):
                        v = rows_v[r0 + k2, sl]
                        m = jnp.maximum(m, v)
                        s = s + v
                        q = q + v * v
                    mx_v[p, sl] = m
                    sm_v[p, sl] = s
                    q_v[sl] = q_v[sl] + q
                return c2

            lax.fori_loop(0, PBLK, pt_body, 0)
            pltpu.sync_copy(mx_v, gmax_hbm.at[pl.ds(pt0, PBLK), :])
            pltpu.sync_copy(sm_v, gsum_hbm.at[pl.ds(pt0, PBLK), :])
            return carry

        lax.fori_loop(0, nblk, blk_body, 0)
        pltpu.sync_copy(q_v, qp_hbm.at[wid, :])

    return k(y_flat, gidx)



def _pd(x_cn):
    Bb, C, Nn = x_cn.shape
    return pl.pallas_call(
        _pd_body,
        grid=(Bb,),
        in_specs=[pl.BlockSpec((1, C, Nn), lambda b: (b, 0, 0))],
        out_specs=pl.BlockSpec((1, Nn, Nn), lambda b: (b, 0, 0)),
        out_shape=jax.ShapeDtypeStruct((Bb, Nn, Nn), jnp.float32),
    )(x_cn)


def _apply(cmax, st):
    Bb, Nn, C = cmax.shape
    return pl.pallas_call(
        _apply_body,
        grid=(Bb,),
        in_specs=[pl.BlockSpec((1, Nn, C), lambda b: (b, 0, 0)),
                  pl.BlockSpec((2, C), lambda b: (0, 0))],
        out_specs=pl.BlockSpec((1, Nn, C), lambda b: (b, 0, 0)),
        out_shape=jax.ShapeDtypeStruct((Bb, Nn, C), jnp.float32),
    )(cmax, st)


def _apply_yz(cmax, st, wa, wd):
    Bb, Nn, C = cmax.shape
    O = wa.shape[0]
    return pl.pallas_call(
        _apply_yz_body,
        grid=(Bb,),
        in_specs=[pl.BlockSpec((1, Nn, C), lambda b: (b, 0, 0)),
                  pl.BlockSpec((2, C), lambda b: (0, 0)),
                  pl.BlockSpec((O, C), lambda b: (0, 0)),
                  pl.BlockSpec((O, C), lambda b: (0, 0))],
        out_specs=[pl.BlockSpec((1, Nn, C), lambda b: (b, 0, 0)),
                   pl.BlockSpec((1, Nn, O), lambda b: (b, 0, 0)),
                   pl.BlockSpec((1, Nn, O), lambda b: (b, 0, 0))],
        out_shape=[jax.ShapeDtypeStruct((Bb, Nn, C), jnp.float32),
                   jax.ShapeDtypeStruct((Bb, Nn, O), jnp.float32),
                   jax.ShapeDtypeStruct((Bb, Nn, O), jnp.float32)],
    )(cmax, st, wa, wd)


def _convstats(he3, w):
    Bb, NK, C2 = he3.shape
    Nn = NK // K
    O = w.shape[0]
    body = functools.partial(_convstats_body, nk_total=float(Bb * NK),
                             n=Nn, k=K)
    return pl.pallas_call(
        body,
        grid=(Bb,),
        in_specs=[pl.BlockSpec((1, NK, C2), lambda b: (b, 0, 0)),
                  pl.BlockSpec((O, C2), lambda b: (0, 0))],
        out_specs=[pl.BlockSpec((1, Nn, O), lambda b: (b, 0, 0)),
                   pl.BlockSpec((2, O), lambda b: (0, 0))],
        out_shape=[jax.ShapeDtypeStruct((Bb, Nn, O), jnp.float32),
                   jax.ShapeDtypeStruct((2, O), jnp.float32)],
        scratch_shapes=[pltpu.VMEM((2, O), jnp.float32)],
    )(he3, w)


def _stats(gsum, z, qp):
    Bb, Nn, O = gsum.shape
    body = functools.partial(_stats_body, nk_total=float(Bb * Nn * K))
    return pl.pallas_call(
        body,
        grid=(Bb,),
        in_specs=[pl.BlockSpec((1, Nn, O), lambda b: (b, 0, 0)),
                  pl.BlockSpec((1, Nn, O), lambda b: (b, 0, 0)),
                  pl.BlockSpec((NW, O), lambda b: (0, 0))],
        out_specs=pl.BlockSpec((2, O), lambda b: (0, 0)),
        out_shape=jax.ShapeDtypeStruct((2, O), jnp.float32),
        scratch_shapes=[pltpu.VMEM((4, O), jnp.float32)],
    )(gsum, z, qp)


def _conv5(x4, x1, x2, x3, w5):
    Bb, Nn, _ = x4.shape
    body = functools.partial(_conv5_body, n_total=float(Bb * Nn))
    return pl.pallas_call(
        body,
        grid=(Bb,),
        in_specs=[pl.BlockSpec((1, Nn, 256), lambda b: (b, 0, 0)),
                  pl.BlockSpec((1, Nn, 64), lambda b: (b, 0, 0)),
                  pl.BlockSpec((1, Nn, 64), lambda b: (b, 0, 0)),
                  pl.BlockSpec((1, Nn, 128), lambda b: (b, 0, 0)),
                  pl.BlockSpec((1024, 512), lambda b: (0, 0))],
        out_specs=[pl.BlockSpec((1, Nn, 1024), lambda b: (b, 0, 0)),
                   pl.BlockSpec((2, 1024), lambda b: (0, 0))],
        out_shape=[jax.ShapeDtypeStruct((Bb, Nn, 1024), jnp.float32),
                   jax.ShapeDtypeStruct((2, 1024), jnp.float32)],
        scratch_shapes=[pltpu.VMEM((2, 1024), jnp.float32)],
    )(x4, x1, x2, x3, w5)


def _pool(h, st5):
    Bb, Nn, _ = h.shape
    return pl.pallas_call(
        _pool_body,
        grid=(Bb,),
        in_specs=[pl.BlockSpec((1, Nn, 1024), lambda b: (b, 0, 0)),
                  pl.BlockSpec((2, 1024), lambda b: (0, 0))],
        out_specs=pl.BlockSpec((1, 1, 2048), lambda b: (b, 0, 0)),
        out_shape=jax.ShapeDtypeStruct((Bb, 1, 2048), jnp.float32),
    )(h, st5).reshape(Bb, 2048)


def _head(f, L1, L2, bl2, L3, bl3):
    Bb = f.shape[0]
    return pl.pallas_call(
        _head_body,
        out_shape=jax.ShapeDtypeStruct((Bb, 40), jnp.float32),
    )(f, L1, L2, bl2, L3, bl3)



def _bn_x(x, g, b, axes):
    m = x.mean(axis=axes, keepdims=True)
    v = x.var(axis=axes, keepdims=True)
    sh = [1] * x.ndim
    sh[1] = x.shape[1]
    return (x - m) / jnp.sqrt(v + 1e-5) * g.reshape(sh) + b.reshape(sh)


def kernel(x, W1, g1, b1, W2, g2, b2, W3, g3, b3, W4, g4, b4, W5, g5, b5,
           L1, g6, b6, L2, bl2, g7, b7, L3, bl3):
    Bb, C0, Nn = x.shape
    BN = Bb * Nn
    offs = (jnp.arange(Bb, dtype=jnp.int32) * Nn)[:, None, None]

    def topk_gidx(pd):
        idx = lax.top_k(pd, K)[1].astype(jnp.int32)
        return idx, (idx + offs).reshape(BN * K)

    xt0 = jnp.transpose(x, (0, 2, 1))
    pd1 = _pd(x)
    idx1, _ = topk_gidx(pd1)
    feat = jax.vmap(lambda t, i: t[i])(xt0, idx1)
    xi = jnp.broadcast_to(xt0[:, :, None, :], (Bb, Nn, K, C0))
    h1 = jnp.concatenate([feat - xi, xi], axis=-1)
    h1 = jnp.transpose(h1, (0, 3, 1, 2))
    h1 = _bn_x(jnp.einsum('oc,bcnk->bonk', W1, h1), g1, b1, (0, 2, 3))
    h1 = jnp.where(h1 > 0, h1, 0.2 * h1)
    x1t = jnp.transpose(h1.max(axis=-1), (0, 2, 1))

    def edge_layer(xlt, W, g, bvec):
        C = xlt.shape[-1]
        pd = _pd(jnp.transpose(xlt, (0, 2, 1)))
        _, gidx = topk_gidx(pd)
        feat = _sc_gather(xlt.reshape(BN, C), gidx, C, BN).reshape(Bb, Nn, K, C)
        xi = jnp.broadcast_to(xlt[:, :, None, :], (Bb, Nn, K, C))
        h = jnp.concatenate([feat - xi, xi], axis=-1)
        h = jnp.transpose(h, (0, 3, 1, 2))
        h = _bn_x(jnp.einsum('oc,bcnk->bonk', W, h), g, bvec, (0, 2, 3))
        h = jnp.where(h > 0, h, 0.2 * h)
        return jnp.transpose(h.max(axis=-1), (0, 2, 1))

    x2t = edge_layer(x1t, W2, g2, b2)
    x3t = edge_layer(x2t, W3, g3, b3)
    x4t = edge_layer(x3t, W4, g4, b4)

    h, st5 = _conv5(x4t, x1t, x2t, x3t, W5)
    f = _pool(h, st5)
    return _head(f, L1, L2, bl2, L3, bl3)

# --- scband reference (transcript-rebuilt; emitter-appended) ---
"""Pipeline reference for scband-dgcnncls-712964571700 (READ-ONLY COPY).

The authoritative reference and input builder live on the scoring server;
editing this copy changes nothing except your own understanding.
"""

import jax, jax.numpy as jnp
import numpy as np

K = 20

def _bn(x, g, b, axes):
    m = x.mean(axis=axes, keepdims=True)
    v = x.var(axis=axes, keepdims=True)
    sh = [1] * x.ndim
    sh[1] = x.shape[1]
    return (x - m) / jnp.sqrt(v + 1e-5) * g.reshape(sh) + b.reshape(sh)

def _lrelu(x):
    return jnp.where(x > 0, x, 0.2 * x)

def _knn(x, k):
    inner = -2.0 * jnp.einsum('bcn,bcm->bnm', x, x)
    xx = jnp.sum(x * x, axis=1)
    pd = -xx[:, :, None] - inner - xx[:, None, :]
    return jax.lax.top_k(pd, k)[1]

def _ggf(x, k):
    B, C, N = x.shape
    idx = _knn(x, k)
    xt = jnp.transpose(x, (0, 2, 1))
    feat = jax.vmap(lambda t, i: t[i])(xt, idx)
    xi = jnp.broadcast_to(xt[:, :, None, :], (B, N, k, C))
    f = jnp.concatenate([feat - xi, xi], axis=-1)
    return jnp.transpose(f, (0, 3, 1, 2))

def _forward(x, W1, g1, b1, W2, g2, b2, W3, g3, b3, W4, g4, b4, W5, g5, b5, L1, g6, b6, L2, bl2, g7, b7, L3, bl3):
    h = _ggf(x, K)
    h = _lrelu(_bn(jnp.einsum('oc,bcnk->bonk', W1, h), g1, b1, (0, 2, 3)))
    x1 = h.max(axis=-1)
    h = _ggf(x1, K)
    h = _lrelu(_bn(jnp.einsum('oc,bcnk->bonk', W2, h), g2, b2, (0, 2, 3)))
    x2 = h.max(axis=-1)
    h = _ggf(x2, K)
    h = _lrelu(_bn(jnp.einsum('oc,bcnk->bonk', W3, h), g3, b3, (0, 2, 3)))
    x3 = h.max(axis=-1)
    h = _ggf(x3, K)
    h = _lrelu(_bn(jnp.einsum('oc,bcnk->bonk', W4, h), g4, b4, (0, 2, 3)))
    x4 = h.max(axis=-1)
    hc = jnp.concatenate([x1, x2, x3, x4], axis=1)
    h = _lrelu(_bn(jnp.einsum('oc,bcn->bon', W5, hc), g5, b5, (0, 2)))
    p1 = h.max(axis=-1)
    p2 = h.mean(axis=-1)
    f = jnp.concatenate([p1, p2], axis=1)
    h = _lrelu(_bn(f @ L1.T, g6, b6, (0,)))
    h = _lrelu(_bn(h @ L2.T + bl2, g7, b7, (0,)))
    return h @ L3.T + bl3

def setup_inputs(seed: int = 0):
    key = jax.random.key(seed)
    ks = [jax.random.fold_in(key, i) for i in range(10)]
    B, N = 16, 1024
    def w(k, shape):
        return jax.random.normal(k, shape, dtype=jnp.float32) * 0.05
    inp = {}
    inp['x'] = jax.random.normal(ks[0], (B, 3, N), dtype=jnp.float32)
    inp['W1'] = w(ks[1], (64, 6)); inp['g1'] = jnp.ones((64,), jnp.float32); inp['b1'] = jnp.zeros((64,), jnp.float32)
    inp['W2'] = w(ks[2], (64, 128)); inp['g2'] = jnp.ones((64,), jnp.float32); inp['b2'] = jnp.zeros((64,), jnp.float32)
    inp['W3'] = w(ks[3], (128, 128)); inp['g3'] = jnp.ones((128,), jnp.float32); inp['b3'] = jnp.zeros((128,), jnp.float32)
    inp['W4'] = w(ks[4], (256, 256)); inp['g4'] = jnp.ones((256,), jnp.float32); inp['b4'] = jnp.zeros((256,), jnp.float32)
    inp['W5'] = w(ks[5], (1024, 512)); inp['g5'] = jnp.ones((1024,), jnp.float32); inp['b5'] = jnp.zeros((1024,), jnp.float32)
    inp['L1'] = w(ks[6], (512, 2048)); inp['g6'] = jnp.ones((512,), jnp.float32); inp['b6'] = jnp.zeros((512,), jnp.float32)
    inp['L2'] = w(ks[7], (256, 512)); inp['bl2'] = jnp.zeros((256,), jnp.float32); inp['g7'] = jnp.ones((256,), jnp.float32); inp['b7'] = jnp.zeros((256,), jnp.float32)
    inp['L3'] = w(ks[8], (40, 256)); inp['bl3'] = jnp.zeros((40,), jnp.float32)
    return inp

def reference(x, W1, g1, b1, W2, g2, b2, W3, g3, b3, W4, g4, b4, W5, g5, b5, L1, g6, b6, L2, bl2, g7, b7, L3, bl3):
    return _forward(x, W1, g1, b1, W2, g2, b2, W3, g3, b3, W4, g4, b4, W5, g5, b5, L1, g6, b6, L2, bl2, g7, b7, L3, bl3)

if __name__ == "__main__":
    import jax
    _d = setup_inputs()
    print(jax.jit(kernel)(*tuple(_d.values())))

</pallas_src>

<mosaic_0001>
#map = affine_map<(d0, d1) -> (0, 0)>
#map1 = affine_map<(d0, d1) -> (0)>
module attributes {stable_mosaic.version = 14 : i64} {
  func.func @k(%arg0: i32, %arg1: i32, %arg2: memref<16384x128xf32, #tpu.memory_space<hbm>>, %arg3: memref<327680xi32, #tpu.memory_space<hbm>>, %arg4: memref<327680x128xf32, #tpu.memory_space<hbm>>, %arg5: memref<640xi32, #tpu.memory_space<vmem>>, %arg6: memref<640x128xf32, #tpu.memory_space<vmem>>, %arg7: memref<!tpu.dma_semaphore, #tpu.memory_space<semaphore_mem>>) attributes {dimension_semantics = [#tpu.dimension_semantics<core_parallel>, #tpu.dimension_semantics<subcore_parallel>], iteration_bounds = array<i64: 2, 16>, scalar_prefetch = 0 : i64, scratch_operands = 3 : i64, tpu.core_type = #tpu.core_type<sc_vector_subcore>, window_params = [{transform_indices = #map}, {transform_indices = #map1}, {transform_indices = #map}]} {
    %mul3A = arith.constant 2 : i32
    %mul3A_0 = arith.muli %arg1, %mul3A : i32
    %add3A = arith.addi %mul3A_0, %arg0 : i32
    %mul3A_1 = arith.constant 512 : i32
    %mul3A_2 = arith.muli %add3A, %mul3A_1 : i32
    %scan3A = arith.constant 0 : i32
    %scan3A_3 = arith.constant 0 : i32
    %scan3A_4 = arith.constant 16 : i32
    %scan3A_5 = arith.addi %scan3A_3, %scan3A_4 : i32
    %scan3A_6 = arith.constant 1 : i32
    scf.for %scan3A_8 = %scan3A_3 to %scan3A_5 step %scan3A_6  : i32 {
      %mul3A_9 = arith.constant 32 : i32
      %mul3A_10 = arith.muli %scan3A_8, %mul3A_9 : i32
      %add3A_11 = arith.addi %mul3A_2, %mul3A_10 : i32
      %mul3A_12 = arith.constant 20 : i32
      %mul3A_13 = arith.muli %add3A_11, %mul3A_12 : i32
      "tpu.region"() ({
        %run_scoped3A = tpu.sem_alloc : memref<!tpu.dma_semaphore, #tpu.memory_space<semaphore_mem>>
        %dma_start3A_20 = tpu.memref_slice %arg3[%mul3A_13] : memref<327680xi32, #tpu.memory_space<hbm>> -> memref<640xi32, #tpu.memory_space<hbm>>
        %dma_start3A_21 = tpu.memref_slice %arg3[%mul3A_13] : memref<327680xi32, #tpu.memory_space<hbm>> -> memref<640xi32, #tpu.memory_space<hbm>>
        tpu.enqueue_dma source(%dma_start3A_21 : memref<640xi32, #tpu.memory_space<hbm>>) target(%arg5 : memref<640xi32, #tpu.memory_space<vmem>>) target_semaphore(%run_scoped3A : memref<!tpu.dma_semaphore, #tpu.memory_space<semaphore_mem>>)
        %dma_wait3A_22 = tpu.memref_slice %arg3[%mul3A_13] : memref<327680xi32, #tpu.memory_space<hbm>> -> memref<640xi32, #tpu.memory_space<hbm>>
        %dma_wait3A_23 = tpu.memref_slice %arg3[%mul3A_13] : memref<327680xi32, #tpu.memory_space<hbm>> -> memref<640xi32, #tpu.memory_space<hbm>>
        tpu.wait_dma2 semaphore(%run_scoped3A : memref<!tpu.dma_semaphore, #tpu.memory_space<semaphore_mem>>) src(%dma_wait3A_23 : memref<640xi32, #tpu.memory_space<hbm>>) dst(%arg5 : memref<640xi32, #tpu.memory_space<vmem>>)
        tpu.yield
      }) : () -> ()
      %dma_start3A = arith.constant 0 : i32
      %dma_start3A_14 = arith.constant 0 : i32
      %dma_start3A_15 = tpu.memref_slice %arg2[%dma_start3A, %dma_start3A_14] : memref<16384x128xf32, #tpu.memory_space<hbm>> -> memref<16384x128xf32, #tpu.memory_space<hbm>>
      tpu.enqueue_indirect_dma source(%dma_start3A_15 : memref<16384x128xf32, #tpu.memory_space<hbm>>) target(%arg6 : memref<640x128xf32, #tpu.memory_space<vmem>>) offsets(%arg5 : memref<640xi32, #tpu.memory_space<vmem>>) semaphore(%arg7 : memref<!tpu.dma_semaphore, #tpu.memory_space<semaphore_mem>>)
      %dma_wait3A = arith.constant 0 : i32
      %dma_wait3A_16 = arith.constant 0 : i32
      %dma_wait3A_17 = tpu.memref_slice %arg2[%dma_wait3A, %dma_wait3A_16] : memref<16384x128xf32, #tpu.memory_space<hbm>> -> memref<16384x128xf32, #tpu.memory_space<hbm>>
      tpu.wait_indirect_dma semaphore(%arg7 : memref<!tpu.dma_semaphore, #tpu.memory_space<semaphore_mem>>) src(%dma_wait3A_17 : memref<16384x128xf32, #tpu.memory_space<hbm>>) dst(%arg6 : memref<640x128xf32, #tpu.memory_space<vmem>>)
      %mul3A_18 = arith.constant 20 : i32
      %mul3A_19 = arith.muli %add3A_11, %mul3A_18 : i32
      "tpu.region"() ({
        %run_scoped3A = tpu.sem_alloc : memref<!tpu.dma_semaphore, #tpu.memory_space<semaphore_mem>>
        %dma_start3A_20 = arith.constant 0 : i32
        %dma_start3A_21 = tpu.memref_slice %arg4[%mul3A_19, %dma_start3A_20] : memref<327680x128xf32, #tpu.memory_space<hbm>> -> memref<640x128xf32, #tpu.memory_space<hbm>>
        %dma_start3A_22 = arith.constant 0 : i32
        %dma_start3A_23 = tpu.memref_slice %arg4[%mul3A_19, %dma_start3A_22] : memref<327680x128xf32, #tpu.memory_space<hbm>> -> memref<640x128xf32, #tpu.memory_space<hbm>>
        tpu.enqueue_dma source(%arg6 : memref<640x128xf32, #tpu.memory_space<vmem>>) target(%dma_start3A_23 : memref<640x128xf32, #tpu.memory_space<hbm>>) target_semaphore(%run_scoped3A : memref<!tpu.dma_semaphore, #tpu.memory_space<semaphore_mem>>)
        %dma_wait3A_24 = arith.constant 0 : i32
        %dma_wait3A_25 = tpu.memref_slice %arg4[%mul3A_19, %dma_wait3A_24] : memref<327680x128xf32, #tpu.memory_space<hbm>> -> memref<640x128xf32, #tpu.memory_space<hbm>>
        %dma_wait3A_26 = arith.constant 0 : i32
        %dma_wait3A_27 = tpu.memref_slice %arg4[%mul3A_19, %dma_wait3A_26] : memref<327680x128xf32, #tpu.memory_space<hbm>> -> memref<640x128xf32, #tpu.memory_space<hbm>>
        tpu.wait_dma2 semaphore(%run_scoped3A : memref<!tpu.dma_semaphore, #tpu.memory_space<semaphore_mem>>) src(%arg6 : memref<640x128xf32, #tpu.memory_space<vmem>>) dst(%dma_wait3A_27 : memref<640x128xf32, #tpu.memory_space<hbm>>)
        tpu.yield
      }) : () -> ()
    }
    %scan3A_7 = arith.constant 16 : i32
    return
  }
}

#map = affine_map<(d0, d1) -> (0, 0)>
#map1 = affine_map<(d0, d1) -> (0)>
module attributes {stable_mosaic.version = 14 : i64} {
  func.func @k(%arg0: i32, %arg1: i32, %arg2: memref<16384x64xf32, #tpu.memory_space<hbm>>, %arg3: memref<327680xi32, #tpu.memory_space<hbm>>, %arg4: memref<327680x64xf32, #tpu.memory_space<hbm>>, %arg5: memref<640xi32, #tpu.memory_space<vmem>>, %arg6: memref<640x64xf32, #tpu.memory_space<vmem>>, %arg7: memref<!tpu.dma_semaphore, #tpu.memory_space<semaphore_mem>>) attributes {dimension_semantics = [#tpu.dimension_semantics<core_parallel>, #tpu.dimension_semantics<subcore_parallel>], iteration_bounds = array<i64: 2, 16>, scalar_prefetch = 0 : i64, scratch_operands = 3 : i64, tpu.core_type = #tpu.core_type<sc_vector_subcore>, window_params = [{transform_indices = #map}, {transform_indices = #map1}, {transform_indices = #map}]} {
    %mul3A = arith.constant 2 : i32
    %mul3A_0 = arith.muli %arg1, %mul3A : i32
    %add3A = arith.addi %mul3A_0, %arg0 : i32
    %mul3A_1 = arith.constant 512 : i32
    %mul3A_2 = arith.muli %add3A, %mul3A_1 : i32
    %scan3A = arith.constant 0 : i32
    %scan3A_3 = arith.constant 0 : i32
    %scan3A_4 = arith.constant 16 : i32
    %scan3A_5 = arith.addi %scan3A_3, %scan3A_4 : i32
    %scan3A_6 = arith.constant 1 : i32
    scf.for %scan3A_8 = %scan3A_3 to %scan3A_5 step %scan3A_6  : i32 {
      %mul3A_9 = arith.constant 32 : i32
      %mul3A_10 = arith.muli %scan3A_8, %mul3A_9 : i32
      %add3A_11 = arith.addi %mul3A_2, %mul3A_10 : i32
      %mul3A_12 = arith.constant 20 : i32
      %mul3A_13 = arith.muli %add3A_11, %mul3A_12 : i32
      "tpu.region"() ({
        %run_scoped3A = tpu.sem_alloc : memref<!tpu.dma_semaphore, #tpu.memory_space<semaphore_mem>>
        %dma_start3A_20 = tpu.memref_slice %arg3[%mul3A_13] : memref<327680xi32, #tpu.memory_space<hbm>> -> memref<640xi32, #tpu.memory_space<hbm>>
        %dma_start3A_21 = tpu.memref_slice %arg3[%mul3A_13] : memref<327680xi32, #tpu.memory_space<hbm>> -> memref<640xi32, #tpu.memory_space<hbm>>
        tpu.enqueue_dma source(%dma_start3A_21 : memref<640xi32, #tpu.memory_space<hbm>>) target(%arg5 : memref<640xi32, #tpu.memory_space<vmem>>) target_semaphore(%run_scoped3A : memref<!tpu.dma_semaphore, #tpu.memory_space<semaphore_mem>>)
        %dma_wait3A_22 = tpu.memref_slice %arg3[%mul3A_13] : memref<327680xi32, #tpu.memory_space<hbm>> -> memref<640xi32, #tpu.memory_space<hbm>>
        %dma_wait3A_23 = tpu.memref_slice %arg3[%mul3A_13] : memref<327680xi32, #tpu.memory_space<hbm>> -> memref<640xi32, #tpu.memory_space<hbm>>
        tpu.wait_dma2 semaphore(%run_scoped3A : memref<!tpu.dma_semaphore, #tpu.memory_space<semaphore_mem>>) src(%dma_wait3A_23 : memref<640xi32, #tpu.memory_space<hbm>>) dst(%arg5 : memref<640xi32, #tpu.memory_space<vmem>>)
        tpu.yield
      }) : () -> ()
      %dma_start3A = arith.constant 0 : i32
      %dma_start3A_14 = arith.constant 0 : i32
      %dma_start3A_15 = tpu.memref_slice %arg2[%dma_start3A, %dma_start3A_14] : memref<16384x64xf32, #tpu.memory_space<hbm>> -> memref<16384x64xf32, #tpu.memory_space<hbm>>
      tpu.enqueue_indirect_dma source(%dma_start3A_15 : memref<16384x64xf32, #tpu.memory_space<hbm>>) target(%arg6 : memref<640x64xf32, #tpu.memory_space<vmem>>) offsets(%arg5 : memref<640xi32, #tpu.memory_space<vmem>>) semaphore(%arg7 : memref<!tpu.dma_semaphore, #tpu.memory_space<semaphore_mem>>)
      %dma_wait3A = arith.constant 0 : i32
      %dma_wait3A_16 = arith.constant 0 : i32
      %dma_wait3A_17 = tpu.memref_slice %arg2[%dma_wait3A, %dma_wait3A_16] : memref<16384x64xf32, #tpu.memory_space<hbm>> -> memref<16384x64xf32, #tpu.memory_space<hbm>>
      tpu.wait_indirect_dma semaphore(%arg7 : memref<!tpu.dma_semaphore, #tpu.memory_space<semaphore_mem>>) src(%dma_wait3A_17 : memref<16384x64xf32, #tpu.memory_space<hbm>>) dst(%arg6 : memref<640x64xf32, #tpu.memory_space<vmem>>)
      %mul3A_18 = arith.constant 20 : i32
      %mul3A_19 = arith.muli %add3A_11, %mul3A_18 : i32
      "tpu.region"() ({
        %run_scoped3A = tpu.sem_alloc : memref<!tpu.dma_semaphore, #tpu.memory_space<semaphore_mem>>
        %dma_start3A_20 = arith.constant 0 : i32
        %dma_start3A_21 = tpu.memref_slice %arg4[%mul3A_19, %dma_start3A_20] : memref<327680x64xf32, #tpu.memory_space<hbm>> -> memref<640x64xf32, #tpu.memory_space<hbm>>
        %dma_start3A_22 = arith.constant 0 : i32
        %dma_start3A_23 = tpu.memref_slice %arg4[%mul3A_19, %dma_start3A_22] : memref<327680x64xf32, #tpu.memory_space<hbm>> -> memref<640x64xf32, #tpu.memory_space<hbm>>
        tpu.enqueue_dma source(%arg6 : memref<640x64xf32, #tpu.memory_space<vmem>>) target(%dma_start3A_23 : memref<640x64xf32, #tpu.memory_space<hbm>>) target_semaphore(%run_scoped3A : memref<!tpu.dma_semaphore, #tpu.memory_space<semaphore_mem>>)
        %dma_wait3A_24 = arith.constant 0 : i32
        %dma_wait3A_25 = tpu.memref_slice %arg4[%mul3A_19, %dma_wait3A_24] : memref<327680x64xf32, #tpu.memory_space<hbm>> -> memref<640x64xf32, #tpu.memory_space<hbm>>
        %dma_wait3A_26 = arith.constant 0 : i32
        %dma_wait3A_27 = tpu.memref_slice %arg4[%mul3A_19, %dma_wait3A_26] : memref<327680x64xf32, #tpu.memory_space<hbm>> -> memref<640x64xf32, #tpu.memory_space<hbm>>
        tpu.wait_dma2 semaphore(%run_scoped3A : memref<!tpu.dma_semaphore, #tpu.memory_space<semaphore_mem>>) src(%arg6 : memref<640x64xf32, #tpu.memory_space<vmem>>) dst(%dma_wait3A_27 : memref<640x64xf32, #tpu.memory_space<hbm>>)
        tpu.yield
      }) : () -> ()
    }
    %scan3A_7 = arith.constant 16 : i32
    return
  }
}

#map = affine_map<(d0, d1) -> (0, 0)>
#map1 = affine_map<(d0, d1) -> (0)>
module attributes {stable_mosaic.version = 14 : i64} {
  func.func @k(%arg0: i32, %arg1: i32, %arg2: memref<16384x64xf32, #tpu.memory_space<hbm>>, %arg3: memref<327680xi32, #tpu.memory_space<hbm>>, %arg4: memref<327680x64xf32, #tpu.memory_space<hbm>>, %arg5: memref<640xi32, #tpu.memory_space<vmem>>, %arg6: memref<640x64xf32, #tpu.memory_space<vmem>>, %arg7: memref<!tpu.dma_semaphore, #tpu.memory_space<semaphore_mem>>) attributes {dimension_semantics = [#tpu.dimension_semantics<core_parallel>, #tpu.dimension_semantics<subcore_parallel>], iteration_bounds = array<i64: 2, 16>, scalar_prefetch = 0 : i64, scratch_operands = 3 : i64, tpu.core_type = #tpu.core_type<sc_vector_subcore>, window_params = [{transform_indices = #map}, {transform_indices = #map1}, {transform_indices = #map}]} {
    %mul3A = arith.constant 2 : i32
    %mul3A_0 = arith.muli %arg1, %mul3A : i32
    %add3A = arith.addi %mul3A_0, %arg0 : i32
    %mul3A_1 = arith.constant 512 : i32
    %mul3A_2 = arith.muli %add3A, %mul3A_1 : i32
    %scan3A = arith.constant 0 : i32
    %scan3A_3 = arith.constant 0 : i32
    %scan3A_4 = arith.constant 16 : i32
    %scan3A_5 = arith.addi %scan3A_3, %scan3A_4 : i32
    %scan3A_6 = arith.constant 1 : i32
    scf.for %scan3A_8 = %scan3A_3 to %scan3A_5 step %scan3A_6  : i32 {
      %mul3A_9 = arith.constant 32 : i32
      %mul3A_10 = arith.muli %scan3A_8, %mul3A_9 : i32
      %add3A_11 = arith.addi %mul3A_2, %mul3A_10 : i32
      %mul3A_12 = arith.constant 20 : i32
      %mul3A_13 = arith.muli %add3A_11, %mul3A_12 : i32
      "tpu.region"() ({
        %run_scoped3A = tpu.sem_alloc : memref<!tpu.dma_semaphore, #tpu.memory_space<semaphore_mem>>
        %dma_start3A_20 = tpu.memref_slice %arg3[%mul3A_13] : memref<327680xi32, #tpu.memory_space<hbm>> -> memref<640xi32, #tpu.memory_space<hbm>>
        %dma_start3A_21 = tpu.memref_slice %arg3[%mul3A_13] : memref<327680xi32, #tpu.memory_space<hbm>> -> memref<640xi32, #tpu.memory_space<hbm>>
        tpu.enqueue_dma source(%dma_start3A_21 : memref<640xi32, #tpu.memory_space<hbm>>) target(%arg5 : memref<640xi32, #tpu.memory_space<vmem>>) target_semaphore(%run_scoped3A : memref<!tpu.dma_semaphore, #tpu.memory_space<semaphore_mem>>)
        %dma_wait3A_22 = tpu.memref_slice %arg3[%mul3A_13] : memref<327680xi32, #tpu.memory_space<hbm>> -> memref<640xi32, #tpu.memory_space<hbm>>
        %dma_wait3A_23 = tpu.memref_slice %arg3[%mul3A_13] : memref<327680xi32, #tpu.memory_space<hbm>> -> memref<640xi32, #tpu.memory_space<hbm>>
        tpu.wait_dma2 semaphore(%run_scoped3A : memref<!tpu.dma_semaphore, #tpu.memory_space<semaphore_mem>>) src(%dma_wait3A_23 : memref<640xi32, #tpu.memory_space<hbm>>) dst(%arg5 : memref<640xi32, #tpu.memory_space<vmem>>)
        tpu.yield
      }) : () -> ()
      %dma_start3A = arith.constant 0 : i32
      %dma_start3A_14 = arith.constant 0 : i32
      %dma_start3A_15 = tpu.memref_slice %arg2[%dma_start3A, %dma_start3A_14] : memref<16384x64xf32, #tpu.memory_space<hbm>> -> memref<16384x64xf32, #tpu.memory_space<hbm>>
      tpu.enqueue_indirect_dma source(%dma_start3A_15 : memref<16384x64xf32, #tpu.memory_space<hbm>>) target(%arg6 : memref<640x64xf32, #tpu.memory_space<vmem>>) offsets(%arg5 : memref<640xi32, #tpu.memory_space<vmem>>) semaphore(%arg7 : memref<!tpu.dma_semaphore, #tpu.memory_space<semaphore_mem>>)
      %dma_wait3A = arith.constant 0 : i32
      %dma_wait3A_16 = arith.constant 0 : i32
      %dma_wait3A_17 = tpu.memref_slice %arg2[%dma_wait3A, %dma_wait3A_16] : memref<16384x64xf32, #tpu.memory_space<hbm>> -> memref<16384x64xf32, #tpu.memory_space<hbm>>
      tpu.wait_indirect_dma semaphore(%arg7 : memref<!tpu.dma_semaphore, #tpu.memory_space<semaphore_mem>>) src(%dma_wait3A_17 : memref<16384x64xf32, #tpu.memory_space<hbm>>) dst(%arg6 : memref<640x64xf32, #tpu.memory_space<vmem>>)
      %mul3A_18 = arith.constant 20 : i32
      %mul3A_19 = arith.muli %add3A_11, %mul3A_18 : i32
      "tpu.region"() ({
        %run_scoped3A = tpu.sem_alloc : memref<!tpu.dma_semaphore, #tpu.memory_space<semaphore_mem>>
        %dma_start3A_20 = arith.constant 0 : i32
        %dma_start3A_21 = tpu.memref_slice %arg4[%mul3A_19, %dma_start3A_20] : memref<327680x64xf32, #tpu.memory_space<hbm>> -> memref<640x64xf32, #tpu.memory_space<hbm>>
        %dma_start3A_22 = arith.constant 0 : i32
        %dma_start3A_23 = tpu.memref_slice %arg4[%mul3A_19, %dma_start3A_22] : memref<327680x64xf32, #tpu.memory_space<hbm>> -> memref<640x64xf32, #tpu.memory_space<hbm>>
        tpu.enqueue_dma source(%arg6 : memref<640x64xf32, #tpu.memory_space<vmem>>) target(%dma_start3A_23 : memref<640x64xf32, #tpu.memory_space<hbm>>) target_semaphore(%run_scoped3A : memref<!tpu.dma_semaphore, #tpu.memory_space<semaphore_mem>>)
        %dma_wait3A_24 = arith.constant 0 : i32
        %dma_wait3A_25 = tpu.memref_slice %arg4[%mul3A_19, %dma_wait3A_24] : memref<327680x64xf32, #tpu.memory_space<hbm>> -> memref<640x64xf32, #tpu.memory_space<hbm>>
        %dma_wait3A_26 = arith.constant 0 : i32
        %dma_wait3A_27 = tpu.memref_slice %arg4[%mul3A_19, %dma_wait3A_26] : memref<327680x64xf32, #tpu.memory_space<hbm>> -> memref<640x64xf32, #tpu.memory_space<hbm>>
        tpu.wait_dma2 semaphore(%run_scoped3A : memref<!tpu.dma_semaphore, #tpu.memory_space<semaphore_mem>>) src(%arg6 : memref<640x64xf32, #tpu.memory_space<vmem>>) dst(%dma_wait3A_27 : memref<640x64xf32, #tpu.memory_space<hbm>>)
        tpu.yield
      }) : () -> ()
    }
    %scan3A_7 = arith.constant 16 : i32
    return
  }
}

module attributes {stable_mosaic.version = 14 : i64} {
  func.func @_pd_body(%arg0: i32, %arg1: memref<1x3x1024xf32, #tpu.memory_space<vmem>>, %arg2: memref<1x1024x1024xf32, #tpu.memory_space<vmem>>) attributes {dimension_semantics = [#tpu.dimension_semantics<arbitrary>], iteration_bounds = array<i64: 16>, scalar_prefetch = 0 : i64, scratch_operands = 0 : i64, tpu.core_type = #tpu.core_type<tc>, window_params = [{transform_indices = @transform_0, window_bounds = array<i64: 1, 3, 1024>}, {transform_indices = @transform_1, window_bounds = array<i64: 1, 1024, 1024>}]} {
    %get3A = arith.constant 0 : index
    %get3A_0 = arith.constant 0 : index
    %get3A_1 = arith.constant 0 : index
    %get3A_2 = vector.load %arg1[%get3A, %get3A_0, %get3A_1] : memref<1x3x1024xf32, #tpu.memory_space<vmem>>, vector<1x3x1024xf32>
    %get3A_3 = vector.shape_cast %get3A_2 : vector<1x3x1024xf32> to vector<3x1024xf32>
    %dot_general3A = arith.constant dense<0.000000e+00> : vector<1024x1024xf32>
    %dot_general3A_4 = tpu.matmul %get3A_3, %get3A_3, %dot_general3A {dimension_numbers = #tpu.dot_dimension_numbers<[0], [0], [1], [1], [0, 1, 1, 1], [], []>, transpose_lhs_hint = false} : vector<3x1024xf32>, vector<3x1024xf32>, vector<1024x1024xf32> -> vector<1024x1024xf32>
    %mul3A = arith.mulf %get3A_3, %get3A_3 : vector<3x1024xf32>
    %reduce_sum3A = arith.constant dense<0.000000e+00> : vector<1024xf32>
    %reduce_sum3A_5 = vector.multi_reduction <add>, %mul3A, %reduce_sum3A [0] : vector<3x1024xf32> to vector<1024xf32>
    %mul3A_6 = arith.constant 2.000000e+00 : f32
    %mul3A_7 = vector.broadcast %mul3A_6 : f32 to vector<1024x1024xf32>
    %mul3A_8 = arith.mulf %mul3A_7, %dot_general3A_4 : vector<1024x1024xf32>
    %broadcast_in_dim3A = vector.shape_cast %reduce_sum3A_5 : vector<1024xf32> to vector<1024x1xf32>
    %sub3A = vector.broadcast %broadcast_in_dim3A : vector<1024x1xf32> to vector<1024x1024xf32>
    %sub3A_9 = arith.subf %mul3A_8, %sub3A : vector<1024x1024xf32>
    %broadcast_in_dim3A_10 = vector.shape_cast %reduce_sum3A_5 : vector<1024xf32> to vector<1x1024xf32>
    %sub3A_11 = vector.broadcast %broadcast_in_dim3A_10 : vector<1x1024xf32> to vector<1024x1024xf32>
    %sub3A_12 = arith.subf %sub3A_9, %sub3A_11 : vector<1024x1024xf32>
    %swap3A = arith.constant 0 : index
    %swap3A_13 = arith.constant 0 : index
    %swap3A_14 = arith.constant 0 : index
    %swap3A_15 = vector.load %arg2[%swap3A, %swap3A_13, %swap3A_14] : memref<1x1024x1024xf32, #tpu.memory_space<vmem>>, vector<1x1024x1024xf32>
    %swap3A_16 = vector.shape_cast %swap3A_15 : vector<1x1024x1024xf32> to vector<1024x1024xf32>
    %swap3A_17 = vector.shape_cast %sub3A_12 : vector<1024x1024xf32> to vector<1x1024x1024xf32>
    tpu.vector_store %arg2[%swap3A, %swap3A_13, %swap3A_14], %swap3A_17 {strides = array<i32>} : memref<1x1024x1024xf32, #tpu.memory_space<vmem>>, vector<1x1024x1024xf32>,
    return
  }
  func.func @transform_0(%arg0: i32) -> (i32, i32, i32) {
    %c0_i32 = arith.constant 0 : i32
    %c0_i32_0 = arith.constant 0 : i32
    %c0_i32_1 = arith.constant 0 : i32
    return %arg0, %c0_i32, %c0_i32_0 : i32, i32, i32
  }
  func.func @transform_1(%arg0: i32) -> (i32, i32, i32) {
    %c0_i32 = arith.constant 0 : i32
    %c0_i32_0 = arith.constant 0 : i32
    %c0_i32_1 = arith.constant 0 : i32
    return %arg0, %c0_i32, %c0_i32_0 : i32, i32, i32
  }
}

module attributes {stable_mosaic.version = 14 : i64} {
  func.func @_pd_body(%arg0: i32, %arg1: memref<1x64x1024xf32, #tpu.memory_space<vmem>>, %arg2: memref<1x1024x1024xf32, #tpu.memory_space<vmem>>) attributes {dimension_semantics = [#tpu.dimension_semantics<arbitrary>], iteration_bounds = array<i64: 16>, scalar_prefetch = 0 : i64, scratch_operands = 0 : i64, tpu.core_type = #tpu.core_type<tc>, window_params = [{transform_indices = @transform_0, window_bounds = array<i64: 1, 64, 1024>}, {transform_indices = @transform_1, window_bounds = array<i64: 1, 1024, 1024>}]} {
    %get3A = arith.constant 0 : index
    %get3A_0 = arith.constant 0 : index
    %get3A_1 = arith.constant 0 : index
    %get3A_2 = vector.load %arg1[%get3A, %get3A_0, %get3A_1] : memref<1x64x1024xf32, #tpu.memory_space<vmem>>, vector<1x64x1024xf32>
    %get3A_3 = vector.shape_cast %get3A_2 : vector<1x64x1024xf32> to vector<64x1024xf32>
    %dot_general3A = arith.constant dense<0.000000e+00> : vector<1024x1024xf32>
    %dot_general3A_4 = tpu.matmul %get3A_3, %get3A_3, %dot_general3A {dimension_numbers = #tpu.dot_dimension_numbers<[0], [0], [1], [1], [0, 1, 1, 1], [], []>, transpose_lhs_hint = false} : vector<64x1024xf32>, vector<64x1024xf32>, vector<1024x1024xf32> -> vector<1024x1024xf32>
    %mul3A = arith.mulf %get3A_3, %get3A_3 : vector<64x1024xf32>
    %reduce_sum3A = arith.constant dense<0.000000e+00> : vector<1024xf32>
    %reduce_sum3A_5 = vector.multi_reduction <add>, %mul3A, %reduce_sum3A [0] : vector<64x1024xf32> to vector<1024xf32>
    %mul3A_6 = arith.constant 2.000000e+00 : f32
    %mul3A_7 = vector.broadcast %mul3A_6 : f32 to vector<1024x1024xf32>
    %mul3A_8 = arith.mulf %mul3A_7, %dot_general3A_4 : vector<1024x1024xf32>
    %broadcast_in_dim3A = vector.shape_cast %reduce_sum3A_5 : vector<1024xf32> to vector<1024x1xf32>
    %sub3A = vector.broadcast %broadcast_in_dim3A : vector<1024x1xf32> to vector<1024x1024xf32>
    %sub3A_9 = arith.subf %mul3A_8, %sub3A : vector<1024x1024xf32>
    %broadcast_in_dim3A_10 = vector.shape_cast %reduce_sum3A_5 : vector<1024xf32> to vector<1x1024xf32>
    %sub3A_11 = vector.broadcast %broadcast_in_dim3A_10 : vector<1x1024xf32> to vector<1024x1024xf32>
    %sub3A_12 = arith.subf %sub3A_9, %sub3A_11 : vector<1024x1024xf32>
    %swap3A = arith.constant 0 : index
    %swap3A_13 = arith.constant 0 : index
    %swap3A_14 = arith.constant 0 : index
    %swap3A_15 = vector.load %arg2[%swap3A, %swap3A_13, %swap3A_14] : memref<1x1024x1024xf32, #tpu.memory_space<vmem>>, vector<1x1024x1024xf32>
    %swap3A_16 = vector.shape_cast %swap3A_15 : vector<1x1024x1024xf32> to vector<1024x1024xf32>
    %swap3A_17 = vector.shape_cast %sub3A_12 : vector<1024x1024xf32> to vector<1x1024x1024xf32>
    tpu.vector_store %arg2[%swap3A, %swap3A_13, %swap3A_14], %swap3A_17 {strides = array<i32>} : memref<1x1024x1024xf32, #tpu.memory_space<vmem>>, vector<1x1024x1024xf32>,
    return
  }
  func.func @transform_0(%arg0: i32) -> (i32, i32, i32) {
    %c0_i32 = arith.constant 0 : i32
    %c0_i32_0 = arith.constant 0 : i32
    %c0_i32_1 = arith.constant 0 : i32
    return %arg0, %c0_i32, %c0_i32_0 : i32, i32, i32
  }
  func.func @transform_1(%arg0: i32) -> (i32, i32, i32) {
    %c0_i32 = arith.constant 0 : i32
    %c0_i32_0 = arith.constant 0 : i32
    %c0_i32_1 = arith.constant 0 : i32
    return %arg0, %c0_i32, %c0_i32_0 : i32, i32, i32
  }
}

module attributes {stable_mosaic.version = 14 : i64} {
  func.func @_pd_body(%arg0: i32, %arg1: memref<1x128x1024xf32, #tpu.memory_space<vmem>>, %arg2: memref<1x1024x1024xf32, #tpu.memory_space<vmem>>) attributes {dimension_semantics = [#tpu.dimension_semantics<arbitrary>], iteration_bounds = array<i64: 16>, scalar_prefetch = 0 : i64, scratch_operands = 0 : i64, tpu.core_type = #tpu.core_type<tc>, window_params = [{transform_indices = @transform_0, window_bounds = array<i64: 1, 128, 1024>}, {transform_indices = @transform_1, window_bounds = array<i64: 1, 1024, 1024>}]} {
    %get3A = arith.constant 0 : index
    %get3A_0 = arith.constant 0 : index
    %get3A_1 = arith.constant 0 : index
    %get3A_2 = vector.load %arg1[%get3A, %get3A_0, %get3A_1] : memref<1x128x1024xf32, #tpu.memory_space<vmem>>, vector<1x128x1024xf32>
    %get3A_3 = vector.shape_cast %get3A_2 : vector<1x128x1024xf32> to vector<128x1024xf32>
    %dot_general3A = arith.constant dense<0.000000e+00> : vector<1024x1024xf32>
    %dot_general3A_4 = tpu.matmul %get3A_3, %get3A_3, %dot_general3A {dimension_numbers = #tpu.dot_dimension_numbers<[0], [0], [1], [1], [0, 1, 1, 1], [], []>, transpose_lhs_hint = false} : vector<128x1024xf32>, vector<128x1024xf32>, vector<1024x1024xf32> -> vector<1024x1024xf32>
    %mul3A = arith.mulf %get3A_3, %get3A_3 : vector<128x1024xf32>
    %reduce_sum3A = arith.constant dense<0.000000e+00> : vector<1024xf32>
    %reduce_sum3A_5 = vector.multi_reduction <add>, %mul3A, %reduce_sum3A [0] : vector<128x1024xf32> to vector<1024xf32>
    %mul3A_6 = arith.constant 2.000000e+00 : f32
    %mul3A_7 = vector.broadcast %mul3A_6 : f32 to vector<1024x1024xf32>
    %mul3A_8 = arith.mulf %mul3A_7, %dot_general3A_4 : vector<1024x1024xf32>
    %broadcast_in_dim3A = vector.shape_cast %reduce_sum3A_5 : vector<1024xf32> to vector<1024x1xf32>
    %sub3A = vector.broadcast %broadcast_in_dim3A : vector<1024x1xf32> to vector<1024x1024xf32>
    %sub3A_9 = arith.subf %mul3A_8, %sub3A : vector<1024x1024xf32>
    %broadcast_in_dim3A_10 = vector.shape_cast %reduce_sum3A_5 : vector<1024xf32> to vector<1x1024xf32>
    %sub3A_11 = vector.broadcast %broadcast_in_dim3A_10 : vector<1x1024xf32> to vector<1024x1024xf32>
    %sub3A_12 = arith.subf %sub3A_9, %sub3A_11 : vector<1024x1024xf32>
    %swap3A = arith.constant 0 : index
    %swap3A_13 = arith.constant 0 : index
    %swap3A_14 = arith.constant 0 : index
    %swap3A_15 = vector.load %arg2[%swap3A, %swap3A_13, %swap3A_14] : memref<1x1024x1024xf32, #tpu.memory_space<vmem>>, vector<1x1024x1024xf32>
    %swap3A_16 = vector.shape_cast %swap3A_15 : vector<1x1024x1024xf32> to vector<1024x1024xf32>
    %swap3A_17 = vector.shape_cast %sub3A_12 : vector<1024x1024xf32> to vector<1x1024x1024xf32>
    tpu.vector_store %arg2[%swap3A, %swap3A_13, %swap3A_14], %swap3A_17 {strides = array<i32>} : memref<1x1024x1024xf32, #tpu.memory_space<vmem>>, vector<1x1024x1024xf32>,
    return
  }
  func.func @transform_0(%arg0: i32) -> (i32, i32, i32) {
    %c0_i32 = arith.constant 0 : i32
    %c0_i32_0 = arith.constant 0 : i32
    %c0_i32_1 = arith.constant 0 : i32
    return %arg0, %c0_i32, %c0_i32_0 : i32, i32, i32
  }
  func.func @transform_1(%arg0: i32) -> (i32, i32, i32) {
    %c0_i32 = arith.constant 0 : i32
    %c0_i32_0 = arith.constant 0 : i32
    %c0_i32_1 = arith.constant 0 : i32
    return %arg0, %c0_i32, %c0_i32_0 : i32, i32, i32
  }
}

module attributes {stable_mosaic.version = 14 : i64} {
  func.func @_conv5_body(%arg0: i32, %arg1: memref<1x1024x256xf32, #tpu.memory_space<vmem>>, %arg2: memref<1x1024x64xf32, #tpu.memory_space<vmem>>, %arg3: memref<1x1024x64xf32, #tpu.memory_space<vmem>>, %arg4: memref<1x1024x128xf32, #tpu.memory_space<vmem>>, %arg5: memref<1024x512xf32, #tpu.memory_space<vmem>>, %arg6: memref<1x1024x1024xf32, #tpu.memory_space<vmem>>, %arg7: memref<2x1024xf32, #tpu.memory_space<vmem>>, %arg8: memref<2x1024xf32, #tpu.memory_space<vmem>>) attributes {dimension_semantics = [#tpu.dimension_semantics<arbitrary>], iteration_bounds = array<i64: 16>, scalar_prefetch = 0 : i64, scratch_operands = 1 : i64, tpu.core_type = #tpu.core_type<tc>, window_params = [{transform_indices = @transform_0, window_bounds = array<i64: 1, 1024, 256>}, {transform_indices = @transform_1, window_bounds = array<i64: 1, 1024, 64>}, {transform_indices = @transform_2, window_bounds = array<i64: 1, 1024, 64>}, {transform_indices = @transform_3, window_bounds = array<i64: 1, 1024, 128>}, {pipeline_mode = #tpu.pipeline_mode<synchronous>, transform_indices = @transform_4, window_bounds = array<i64: 1024, 512>}, {transform_indices = @transform_5, window_bounds = array<i64: 1, 1024, 1024>}, {pipeline_mode = #tpu.pipeline_mode<synchronous>, transform_indices = @transform_6, window_bounds = array<i64: 2, 1024>}]} {
    %eq3A = arith.constant 0 : i32
    %eq3A_0 = arith.cmpi eq, %arg0, %eq3A : i32
    %convert_element_type3A = arith.extui %eq3A_0 : i1 to i32
    %cond3A = arith.constant 0 : i32
    %cond3A_1 = arith.cmpi ne, %convert_element_type3A, %cond3A : i32
    scf.if %cond3A_1 {
      %broadcast_in_dim3A = arith.constant 0.000000e+00 : f32
      %broadcast_in_dim3A_69 = vector.broadcast %broadcast_in_dim3A : f32 to vector<2x1024xf32>
      %swap3A_70 = arith.constant 0 : index
      %swap3A_71 = arith.constant 0 : index
      %swap3A_72 = vector.load %arg8[%swap3A_70, %swap3A_71] : memref<2x1024xf32, #tpu.memory_space<vmem>>, vector<2x1024xf32>
      tpu.vector_store %arg8[%swap3A_70, %swap3A_71], %broadcast_in_dim3A_69 {strides = array<i32>} : memref<2x1024xf32, #tpu.memory_space<vmem>>, vector<2x1024xf32>,
    } else {
    }
    %get3A = arith.constant 0 : index
    %get3A_2 = arith.constant 0 : index
    %get3A_3 = arith.constant 0 : index
    %get3A_4 = vector.load %arg1[%get3A, %get3A_2, %get3A_3] : memref<1x1024x256xf32, #tpu.memory_space<vmem>>, vector<1x1024x256xf32>
    %get3A_5 = vector.shape_cast %get3A_4 : vector<1x1024x256xf32> to vector<1024x256xf32>
    %get3A_6 = arith.constant 0 : index
    %get3A_7 = arith.constant 0 : index
    %get3A_8 = vector.load %arg5[%get3A_6, %get3A_7] : memref<1024x512xf32, #tpu.memory_space<vmem>>, vector<1024x512xf32>
    %get3A_9 = arith.constant 0 : index
    %get3A_10 = arith.constant 0 : index
    %get3A_11 = arith.constant 0 : index
    %get3A_12 = vector.load %arg2[%get3A_9, %get3A_10, %get3A_11] : memref<1x1024x64xf32, #tpu.memory_space<vmem>>, vector<1x1024x64xf32>
    %get3A_13 = vector.shape_cast %get3A_12 : vector<1x1024x64xf32> to vector<1024x64xf32>
    %slice3A = vector.extract_strided_slice %get3A_8 {offsets = [0, 0], sizes = [1024, 64], strides = [1, 1]} : vector<1024x512xf32> to vector<1024x64xf32>
    %dot_general3A = arith.constant dense<0.000000e+00> : vector<1024x1024xf32>
    %dot_general3A_14 = tpu.matmul %get3A_13, %slice3A, %dot_general3A {dimension_numbers = #tpu.dot_dimension_numbers<[1], [1], [0], [0], [0, 0, 1, 0], [], []>, transpose_lhs_hint = false} : vector<1024x64xf32>, vector<1024x64xf32>, vector<1024x1024xf32> -> vector<1024x1024xf32>
    %get3A_15 = arith.constant 0 : index
    %get3A_16 = arith.constant 0 : index
    %get3A_17 = arith.constant 0 : index
    %get3A_18 = vector.load %arg3[%get3A_15, %get3A_16, %get3A_17] : memref<1x1024x64xf32, #tpu.memory_space<vmem>>, vector<1x1024x64xf32>
    %get3A_19 = vector.shape_cast %get3A_18 : vector<1x1024x64xf32> to vector<1024x64xf32>
    %slice3A_20 = vector.extract_strided_slice %get3A_8 {offsets = [0, 64], sizes = [1024, 64], strides = [1, 1]} : vector<1024x512xf32> to vector<1024x64xf32>
    %dot_general3A_21 = arith.constant dense<0.000000e+00> : vector<1024x1024xf32>
    %dot_general3A_22 = tpu.matmul %get3A_19, %slice3A_20, %dot_general3A_21 {dimension_numbers = #tpu.dot_dimension_numbers<[1], [1], [0], [0], [0, 0, 1, 0], [], []>, transpose_lhs_hint = false} : vector<1024x64xf32>, vector<1024x64xf32>, vector<1024x1024xf32> -> vector<1024x1024xf32>
    %add3A = arith.addf %dot_general3A_14, %dot_general3A_22 : vector<1024x1024xf32>
    %get3A_23 = arith.constant 0 : index
    %get3A_24 = arith.constant 0 : index
    %get3A_25 = arith.constant 0 : index
    %get3A_26 = vector.load %arg4[%get3A_23, %get3A_24, %get3A_25] : memref<1x1024x128xf32, #tpu.memory_space<vmem>>, vector<1x1024x128xf32>
    %get3A_27 = vector.shape_cast %get3A_26 : vector<1x1024x128xf32> to vector<1024x128xf32>
    %slice3A_28 = vector.extract_strided_slice %get3A_8 {offsets = [0, 128], sizes = [1024, 128], strides = [1, 1]} : vector<1024x512xf32> to vector<1024x128xf32>
    %dot_general3A_29 = arith.constant dense<0.000000e+00> : vector<1024x1024xf32>
    %dot_general3A_30 = tpu.matmul %get3A_27, %slice3A_28, %dot_general3A_29 {dimension_numbers = #tpu.dot_dimension_numbers<[1], [1], [0], [0], [0, 0, 1, 0], [], []>, transpose_lhs_hint = false} : vector<1024x128xf32>, vector<1024x128xf32>, vector<1024x1024xf32> -> vector<1024x1024xf32>
    %add3A_31 = arith.addf %add3A, %dot_general3A_30 : vector<1024x1024xf32>
    %slice3A_32 = vector.extract_strided_slice %get3A_8 {offsets = [0, 256], sizes = [1024, 256], strides = [1, 1]} : vector<1024x512xf32> to vector<1024x256xf32>
    %dot_general3A_33 = arith.constant dense<0.000000e+00> : vector<1024x1024xf32>
    %dot_general3A_34 = tpu.matmul %get3A_5, %slice3A_32, %dot_general3A_33 {dimension_numbers = #tpu.dot_dimension_numbers<[1], [1], [0], [0], [0, 0, 1, 0], [], []>, transpose_lhs_hint = false} : vector<1024x256xf32>, vector<1024x256xf32>, vector<1024x1024xf32> -> vector<1024x1024xf32>
    %add3A_35 = arith.addf %add3A_31, %dot_general3A_34 : vector<1024x1024xf32>
    %swap3A = arith.constant 0 : index
    %swap3A_36 = arith.constant 0 : index
    %swap3A_37 = arith.constant 0 : index
    %swap3A_38 = vector.load %arg6[%swap3A, %swap3A_36, %swap3A_37] : memref<1x1024x1024xf32, #tpu.memory_space<vmem>>, vector<1x1024x1024xf32>
    %swap3A_39 = vector.shape_cast %swap3A_38 : vector<1x1024x1024xf32> to vector<1024x1024xf32>
    %swap3A_40 = vector.shape_cast %add3A_35 : vector<1024x1024xf32> to vector<1x1024x1024xf32>
    tpu.vector_store %arg6[%swap3A, %swap3A_36, %swap3A_37], %swap3A_40 {strides = array<i32>} : memref<1x1024x1024xf32, #tpu.memory_space<vmem>>, vector<1x1024x1024xf32>,
    %get3A_41 = arith.constant 0 : index
    %get3A_42 = arith.constant 0 : index
    %get3A_43 = vector.load %arg8[%get3A_41, %get3A_42] : memref<2x1024xf32, #tpu.memory_space<vmem>>, vector<1x1024xf32>
    %get3A_44 = vector.shape_cast %get3A_43 : vector<1x1024xf32> to vector<1024xf32>
    %reduce_sum3A = arith.constant dense<0.000000e+00> : vector<1024xf32>
    %reduce_sum3A_45 = vector.multi_reduction <add>, %add3A_35, %reduce_sum3A [0] : vector<1024x1024xf32> to vector<1024xf32>
    %add3A_46 = arith.addf %get3A_44, %reduce_sum3A_45 : vector<1024xf32>
    %swap3A_47 = arith.constant 0 : index
    %swap3A_48 = arith.constant 0 : index
    %swap3A_49 = vector.load %arg8[%swap3A_47, %swap3A_48] : memref<2x1024xf32, #tpu.memory_space<vmem>>, vector<1x1024xf32>
    %swap3A_50 = vector.shape_cast %swap3A_49 : vector<1x1024xf32> to vector<1024xf32>
    %swap3A_51 = vector.shape_cast %add3A_46 : vector<1024xf32> to vector<1x1024xf32>
    tpu.vector_store %arg8[%swap3A_47, %swap3A_48], %swap3A_51 {strides = array<i32>} : memref<2x1024xf32, #tpu.memory_space<vmem>>, vector<1x1024xf32>,
    %get3A_52 = arith.constant 1 : index
    %get3A_53 = arith.constant 0 : index
    %get3A_54 = vector.load %arg8[%get3A_52, %get3A_53] : memref<2x1024xf32, #tpu.memory_space<vmem>>, vector<1x1024xf32>
    %get3A_55 = vector.shape_cast %get3A_54 : vector<1x1024xf32> to vector<1024xf32>
    %mul3A = arith.mulf %add3A_35, %add3A_35 : vector<1024x1024xf32>
    %reduce_sum3A_56 = arith.constant dense<0.000000e+00> : vector<1024xf32>
    %reduce_sum3A_57 = vector.multi_reduction <add>, %mul3A, %reduce_sum3A_56 [0] : vector<1024x1024xf32> to vector<1024xf32>
    %add3A_58 = arith.addf %get3A_55, %reduce_sum3A_57 : vector<1024xf32>
    %swap3A_59 = arith.constant 1 : index
    %swap3A_60 = arith.constant 0 : index
    %swap3A_61 = vector.load %arg8[%swap3A_59, %swap3A_60] : memref<2x1024xf32, #tpu.memory_space<vmem>>, vector<1x1024xf32>
    %swap3A_62 = vector.shape_cast %swap3A_61 : vector<1x1024xf32> to vector<1024xf32>
    %swap3A_63 = vector.shape_cast %add3A_58 : vector<1024xf32> to vector<1x1024xf32>
    tpu.vector_store %arg8[%swap3A_59, %swap3A_60], %swap3A_63 {strides = array<i32>} : memref<2x1024xf32, #tpu.memory_space<vmem>>, vector<1x1024xf32>,
    %eq3A_64 = arith.constant 15 : i32
    %eq3A_65 = arith.cmpi eq, %arg0, %eq3A_64 : i32
    %convert_element_type3A_66 = arith.extui %eq3A_65 : i1 to i32
    %cond3A_67 = arith.constant 0 : i32
    %cond3A_68 = arith.cmpi ne, %convert_element_type3A_66, %cond3A_67 : i32
    scf.if %cond3A_68 {
      %get3A_69 = arith.constant 0 : index
      %get3A_70 = arith.constant 0 : index
      %get3A_71 = vector.load %arg8[%get3A_69, %get3A_70] : memref<2x1024xf32, #tpu.memory_space<vmem>>, vector<1x1024xf32>
      %get3A_72 = vector.shape_cast %get3A_71 : vector<1x1024xf32> to vector<1024xf32>
      %div3A = arith.constant 1.638400e+04 : f32
      %div3A_73 = vector.broadcast %div3A : f32 to vector<1024xf32>
      %div3A_74 = arith.divf %get3A_72, %div3A_73 : vector<1024xf32>
      %get3A_75 = arith.constant 1 : index
      %get3A_76 = arith.constant 0 : index
      %get3A_77 = vector.load %arg8[%get3A_75, %get3A_76] : memref<2x1024xf32, #tpu.memory_space<vmem>>, vector<1x1024xf32>
      %get3A_78 = vector.shape_cast %get3A_77 : vector<1x1024xf32> to vector<1024xf32>
      %div3A_79 = arith.constant 1.638400e+04 : f32
      %div3A_80 = vector.broadcast %div3A_79 : f32 to vector<1024xf32>
      %div3A_81 = arith.divf %get3A_78, %div3A_80 : vector<1024xf32>
      %mul3A_82 = arith.mulf %div3A_74, %div3A_74 : vector<1024xf32>
      %sub3A = arith.subf %div3A_81, %mul3A_82 : vector<1024xf32>
      %swap3A_83 = arith.constant 0 : index
      %swap3A_84 = arith.constant 0 : index
      %swap3A_85 = vector.load %arg7[%swap3A_83, %swap3A_84] : memref<2x1024xf32, #tpu.memory_space<vmem>>, vector<1x1024xf32>
      %swap3A_86 = vector.shape_cast %swap3A_85 : vector<1x1024xf32> to vector<1024xf32>
      %swap3A_87 = vector.shape_cast %div3A_74 : vector<1024xf32> to vector<1x1024xf32>
      tpu.vector_store %arg7[%swap3A_83, %swap3A_84], %swap3A_87 {strides = array<i32>} : memref<2x1024xf32, #tpu.memory_space<vmem>>, vector<1x1024xf32>,
      %add3A_88 = arith.constant 9.99999974E-6 : f32
      %add3A_89 = vector.broadcast %add3A_88 : f32 to vector<1024xf32>
      %add3A_90 = arith.addf %sub3A, %add3A_89 : vector<1024xf32>
      %rsqrt3A = math.rsqrt %add3A_90 : vector<1024xf32>
      %swap3A_91 = arith.constant 1 : index
      %swap3A_92 = arith.constant 0 : index
      %swap3A_93 = vector.load %arg7[%swap3A_91, %swap3A_92] : memref<2x1024xf32, #tpu.memory_space<vmem>>, vector<1x1024xf32>
      %swap3A_94 = vector.shape_cast %swap3A_93 : vector<1x1024xf32> to vector<1024xf32>
      %swap3A_95 = vector.shape_cast %rsqrt3A : vector<1024xf32> to vector<1x1024xf32>
      tpu.vector_store %arg7[%swap3A_91, %swap3A_92], %swap3A_95 {strides = array<i32>} : memref<2x1024xf32, #tpu.memory_space<vmem>>, vector<1x1024xf32>,
    } else {
    }
    return
  }
  func.func @transform_0(%arg0: i32) -> (i32, i32, i32) {
    %c0_i32 = arith.constant 0 : i32
    %c0_i32_0 = arith.constant 0 : i32
    %c0_i32_1 = arith.constant 0 : i32
    return %arg0, %c0_i32, %c0_i32_0 : i32, i32, i32
  }
  func.func @transform_1(%arg0: i32) -> (i32, i32, i32) {
    %c0_i32 = arith.constant 0 : i32
    %c0_i32_0 = arith.constant 0 : i32
    %c0_i32_1 = arith.constant 0 : i32
    return %arg0, %c0_i32, %c0_i32_0 : i32, i32, i32
  }
  func.func @transform_2(%arg0: i32) -> (i32, i32, i32) {
    %c0_i32 = arith.constant 0 : i32
    %c0_i32_0 = arith.constant 0 : i32
    %c0_i32_1 = arith.constant 0 : i32
    return %arg0, %c0_i32, %c0_i32_0 : i32, i32, i32
  }
  func.func @transform_3(%arg0: i32) -> (i32, i32, i32) {
    %c0_i32 = arith.constant 0 : i32
    %c0_i32_0 = arith.constant 0 : i32
    %c0_i32_1 = arith.constant 0 : i32
    return %arg0, %c0_i32, %c0_i32_0 : i32, i32, i32
  }
  func.func @transform_4(%arg0: i32) -> (i32, i32) {
    %c0_i32 = arith.constant 0 : i32
    %c0_i32_0 = arith.constant 0 : i32
    %c0_i32_1 = arith.constant 0 : i32
    return %c0_i32, %c0_i32_0 : i32, i32
  }
  func.func @transform_5(%arg0: i32) -> (i32, i32, i32) {
    %c0_i32 = arith.constant 0 : i32
    %c0_i32_0 = arith.constant 0 : i32
    %c0_i32_1 = arith.constant 0 : i32
    return %arg0, %c0_i32, %c0_i32_0 : i32, i32, i32
  }
  func.func @transform_6(%arg0: i32) -> (i32, i32) {
    %c0_i32 = arith.constant 0 : i32
    %c0_i32_0 = arith.constant 0 : i32
    %c0_i32_1 = arith.constant 0 : i32
    return %c0_i32, %c0_i32_0 : i32, i32
  }
}

module attributes {stable_mosaic.version = 14 : i64} {
  func.func @_pool_body(%arg0: i32, %arg1: memref<1x1024x1024xf32, #tpu.memory_space<vmem>>, %arg2: memref<2x1024xf32, #tpu.memory_space<vmem>>, %arg3: memref<1x1x2048xf32, #tpu.memory_space<vmem>>) attributes {dimension_semantics = [#tpu.dimension_semantics<arbitrary>], iteration_bounds = array<i64: 16>, scalar_prefetch = 0 : i64, scratch_operands = 0 : i64, tpu.core_type = #tpu.core_type<tc>, window_params = [{transform_indices = @transform_0, window_bounds = array<i64: 1, 1024, 1024>}, {pipeline_mode = #tpu.pipeline_mode<synchronous>, transform_indices = @transform_1, window_bounds = array<i64: 2, 1024>}, {transform_indices = @transform_2, window_bounds = array<i64: 1, 1, 2048>}]} {
    %get3A = arith.constant 0 : index
    %get3A_0 = arith.constant 0 : index
    %get3A_1 = arith.constant 0 : index
    %get3A_2 = vector.load %arg1[%get3A, %get3A_0, %get3A_1] : memref<1x1024x1024xf32, #tpu.memory_space<vmem>>, vector<1x1024x1024xf32>
    %get3A_3 = vector.shape_cast %get3A_2 : vector<1x1024x1024xf32> to vector<1024x1024xf32>
    %get3A_4 = arith.constant 0 : index
    %get3A_5 = arith.constant 0 : index
    %get3A_6 = vector.load %arg2[%get3A_4, %get3A_5] : memref<2x1024xf32, #tpu.memory_space<vmem>>, vector<1x1024xf32>
    %get3A_7 = vector.shape_cast %get3A_6 : vector<1x1024xf32> to vector<1024xf32>
    %broadcast_in_dim3A = vector.shape_cast %get3A_7 : vector<1024xf32> to vector<1x1024xf32>
    %sub3A = vector.broadcast %broadcast_in_dim3A : vector<1x1024xf32> to vector<1024x1024xf32>
    %sub3A_8 = arith.subf %get3A_3, %sub3A : vector<1024x1024xf32>
    %get3A_9 = arith.constant 1 : index
    %get3A_10 = arith.constant 0 : index
    %get3A_11 = vector.load %arg2[%get3A_9, %get3A_10] : memref<2x1024xf32, #tpu.memory_space<vmem>>, vector<1x1024xf32>
    %get3A_12 = vector.shape_cast %get3A_11 : vector<1x1024xf32> to vector<1024xf32>
    %broadcast_in_dim3A_13 = vector.shape_cast %get3A_12 : vector<1024xf32> to vector<1x1024xf32>
    %mul3A = vector.broadcast %broadcast_in_dim3A_13 : vector<1x1024xf32> to vector<1024x1024xf32>
    %mul3A_14 = arith.mulf %sub3A_8, %mul3A : vector<1024x1024xf32>
    %gt3A = arith.constant 0.000000e+00 : f32
    %gt3A_15 = vector.broadcast %gt3A : f32 to vector<1024x1024xf32>
    %gt3A_16 = arith.cmpf ogt, %mul3A_14, %gt3A_15 : vector<1024x1024xf32>
    %mul3A_17 = arith.constant 2.000000e-01 : f32
    %mul3A_18 = vector.broadcast %mul3A_17 : f32 to vector<1024x1024xf32>
    %mul3A_19 = arith.mulf %mul3A_18, %mul3A_14 : vector<1024x1024xf32>
    %select_n3A = arith.select %gt3A_16, %mul3A_14, %mul3A_19 : vector<1024x1024xi1>, vector<1024x1024xf32>
    %reduce_max3A = arith.constant dense<0xFF800000> : vector<1024xf32>
    %reduce_max3A_20 = vector.multi_reduction <maximumf>, %select_n3A, %reduce_max3A [0] : vector<1024x1024xf32> to vector<1024xf32>
    %swap3A = arith.constant 0 : index
    %swap3A_21 = arith.constant 0 : index
    %swap3A_22 = arith.constant 0 : index
    %swap3A_23 = vector.load %arg3[%swap3A, %swap3A_21, %swap3A_22] : memref<1x1x2048xf32, #tpu.memory_space<vmem>>, vector<1x1x1024xf32>
    %swap3A_24 = vector.shape_cast %swap3A_23 : vector<1x1x1024xf32> to vector<1024xf32>
    %swap3A_25 = vector.shape_cast %reduce_max3A_20 : vector<1024xf32> to vector<1x1x1024xf32>
    tpu.vector_store %arg3[%swap3A, %swap3A_21, %swap3A_22], %swap3A_25 {strides = array<i32>} : memref<1x1x2048xf32, #tpu.memory_space<vmem>>, vector<1x1x1024xf32>,
    %reduce_sum3A = arith.constant dense<0.000000e+00> : vector<1024xf32>
    %reduce_sum3A_26 = vector.multi_reduction <add>, %select_n3A, %reduce_sum3A [0] : vector<1024x1024xf32> to vector<1024xf32>
    %div3A = arith.constant 1.024000e+03 : f32
    %div3A_27 = vector.broadcast %div3A : f32 to vector<1024xf32>
    %div3A_28 = arith.divf %reduce_sum3A_26, %div3A_27 : vector<1024xf32>
    %swap3A_29 = arith.constant 0 : index
    %swap3A_30 = arith.constant 0 : index
    %swap3A_31 = arith.constant 1024 : index
    %swap3A_32 = vector.load %arg3[%swap3A_29, %swap3A_30, %swap3A_31] : memref<1x1x2048xf32, #tpu.memory_space<vmem>>, vector<1x1x1024xf32>
    %swap3A_33 = vector.shape_cast %swap3A_32 : vector<1x1x1024xf32> to vector<1024xf32>
    %swap3A_34 = vector.shape_cast %div3A_28 : vector<1024xf32> to vector<1x1x1024xf32>
    tpu.vector_store %arg3[%swap3A_29, %swap3A_30, %swap3A_31], %swap3A_34 {strides = array<i32>} : memref<1x1x2048xf32, #tpu.memory_space<vmem>>, vector<1x1x1024xf32>,
    return
  }
  func.func @transform_0(%arg0: i32) -> (i32, i32, i32) {
    %c0_i32 = arith.constant 0 : i32
    %c0_i32_0 = arith.constant 0 : i32
    %c0_i32_1 = arith.constant 0 : i32
    return %arg0, %c0_i32, %c0_i32_0 : i32, i32, i32
  }
  func.func @transform_1(%arg0: i32) -> (i32, i32) {
    %c0_i32 = arith.constant 0 : i32
    %c0_i32_0 = arith.constant 0 : i32
    %c0_i32_1 = arith.constant 0 : i32
    return %c0_i32, %c0_i32_0 : i32, i32
  }
  func.func @transform_2(%arg0: i32) -> (i32, i32, i32) {
    %c0_i32 = arith.constant 0 : i32
    %c0_i32_0 = arith.constant 0 : i32
    %c0_i32_1 = arith.constant 0 : i32
    return %arg0, %c0_i32, %c0_i32_0 : i32, i32, i32
  }
}

module attributes {stable_mosaic.version = 14 : i64} {
  func.func @_head_body(%arg0: memref<16x2048xf32, #tpu.memory_space<vmem>>, %arg1: memref<512x2048xf32, #tpu.memory_space<vmem>>, %arg2: memref<256x512xf32, #tpu.memory_space<vmem>>, %arg3: memref<256xf32, #tpu.memory_space<vmem>>, %arg4: memref<40x256xf32, #tpu.memory_space<vmem>>, %arg5: memref<40xf32, #tpu.memory_space<vmem>>, %arg6: memref<16x40xf32, #tpu.memory_space<vmem>>) attributes {dimension_semantics = [], scalar_prefetch = 0 : i64, scratch_operands = 0 : i64, tpu.core_type = #tpu.core_type<tc>} {
    %get3A = arith.constant 0 : index
    %get3A_0 = arith.constant 0 : index
    %get3A_1 = vector.load %arg0[%get3A, %get3A_0] : memref<16x2048xf32, #tpu.memory_space<vmem>>, vector<16x2048xf32>
    %get3A_2 = arith.constant 0 : index
    %get3A_3 = arith.constant 0 : index
    %get3A_4 = vector.load %arg1[%get3A_2, %get3A_3] : memref<512x2048xf32, #tpu.memory_space<vmem>>, vector<512x2048xf32>
    %dot_general3A = arith.constant dense<0.000000e+00> : vector<16x512xf32>
    %dot_general3A_5 = tpu.matmul %get3A_1, %get3A_4, %dot_general3A {dimension_numbers = #tpu.dot_dimension_numbers<[1], [1], [0], [0], [0, 0, 1, 0], [], []>, transpose_lhs_hint = false} : vector<16x2048xf32>, vector<512x2048xf32>, vector<16x512xf32> -> vector<16x512xf32>
    %reduce_sum3A = arith.constant dense<0.000000e+00> : vector<512xf32>
    %reduce_sum3A_6 = vector.multi_reduction <add>, %dot_general3A_5, %reduce_sum3A [0] : vector<16x512xf32> to vector<512xf32>
    %div3A = arith.constant 1.600000e+01 : f32
    %div3A_7 = vector.broadcast %div3A : f32 to vector<512xf32>
    %div3A_8 = arith.divf %reduce_sum3A_6, %div3A_7 : vector<512xf32>
    %mul3A = arith.mulf %dot_general3A_5, %dot_general3A_5 : vector<16x512xf32>
    %reduce_sum3A_9 = arith.constant dense<0.000000e+00> : vector<512xf32>
    %reduce_sum3A_10 = vector.multi_reduction <add>, %mul3A, %reduce_sum3A_9 [0] : vector<16x512xf32> to vector<512xf32>
    %div3A_11 = arith.constant 1.600000e+01 : f32
    %div3A_12 = vector.broadcast %div3A_11 : f32 to vector<512xf32>
    %div3A_13 = arith.divf %reduce_sum3A_10, %div3A_12 : vector<512xf32>
    %mul3A_14 = arith.mulf %div3A_8, %div3A_8 : vector<512xf32>
    %sub3A = arith.subf %div3A_13, %mul3A_14 : vector<512xf32>
    %broadcast_in_dim3A = vector.shape_cast %div3A_8 : vector<512xf32> to vector<1x512xf32>
    %sub3A_15 = vector.broadcast %broadcast_in_dim3A : vector<1x512xf32> to vector<16x512xf32>
    %sub3A_16 = arith.subf %dot_general3A_5, %sub3A_15 : vector<16x512xf32>
    %add3A = arith.constant 9.99999974E-6 : f32
    %add3A_17 = vector.broadcast %add3A : f32 to vector<512xf32>
    %add3A_18 = arith.addf %sub3A, %add3A_17 : vector<512xf32>
    %rsqrt3A = math.rsqrt %add3A_18 : vector<512xf32>
    %broadcast_in_dim3A_19 = vector.shape_cast %rsqrt3A : vector<512xf32> to vector<1x512xf32>
    %mul3A_20 = vector.broadcast %broadcast_in_dim3A_19 : vector<1x512xf32> to vector<16x512xf32>
    %mul3A_21 = arith.mulf %sub3A_16, %mul3A_20 : vector<16x512xf32>
    %gt3A = arith.constant 0.000000e+00 : f32
    %gt3A_22 = vector.broadcast %gt3A : f32 to vector<16x512xf32>
    %gt3A_23 = arith.cmpf ogt, %mul3A_21, %gt3A_22 : vector<16x512xf32>
    %mul3A_24 = arith.constant 2.000000e-01 : f32
    %mul3A_25 = vector.broadcast %mul3A_24 : f32 to vector<16x512xf32>
    %mul3A_26 = arith.mulf %mul3A_25, %mul3A_21 : vector<16x512xf32>
    %select_n3A = arith.select %gt3A_23, %mul3A_21, %mul3A_26 : vector<16x512xi1>, vector<16x512xf32>
    %get3A_27 = arith.constant 0 : index
    %get3A_28 = arith.constant 0 : index
    %get3A_29 = vector.load %arg2[%get3A_27, %get3A_28] : memref<256x512xf32, #tpu.memory_space<vmem>>, vector<256x512xf32>
    %dot_general3A_30 = arith.constant dense<0.000000e+00> : vector<16x256xf32>
    %dot_general3A_31 = tpu.matmul %select_n3A, %get3A_29, %dot_general3A_30 {dimension_numbers = #tpu.dot_dimension_numbers<[1], [1], [0], [0], [0, 0, 1, 0], [], []>, transpose_lhs_hint = false} : vector<16x512xf32>, vector<256x512xf32>, vector<16x256xf32> -> vector<16x256xf32>
    %get3A_32 = arith.constant 0 : index
    %get3A_33 = vector.load %arg3[%get3A_32] : memref<256xf32, #tpu.memory_space<vmem>>, vector<256xf32>
    %broadcast_in_dim3A_34 = vector.shape_cast %get3A_33 : vector<256xf32> to vector<1x256xf32>
    %add3A_35 = vector.broadcast %broadcast_in_dim3A_34 : vector<1x256xf32> to vector<16x256xf32>
    %add3A_36 = arith.addf %dot_general3A_31, %add3A_35 : vector<16x256xf32>
    %reduce_sum3A_37 = arith.constant dense<0.000000e+00> : vector<256xf32>
    %reduce_sum3A_38 = vector.multi_reduction <add>, %add3A_36, %reduce_sum3A_37 [0] : vector<16x256xf32> to vector<256xf32>
    %div3A_39 = arith.constant 1.600000e+01 : f32
    %div3A_40 = vector.broadcast %div3A_39 : f32 to vector<256xf32>
    %div3A_41 = arith.divf %reduce_sum3A_38, %div3A_40 : vector<256xf32>
    %mul3A_42 = arith.mulf %add3A_36, %add3A_36 : vector<16x256xf32>
    %reduce_sum3A_43 = arith.constant dense<0.000000e+00> : vector<256xf32>
    %reduce_sum3A_44 = vector.multi_reduction <add>, %mul3A_42, %reduce_sum3A_43 [0] : vector<16x256xf32> to vector<256xf32>
    %div3A_45 = arith.constant 1.600000e+01 : f32
    %div3A_46 = vector.broadcast %div3A_45 : f32 to vector<256xf32>
    %div3A_47 = arith.divf %reduce_sum3A_44, %div3A_46 : vector<256xf32>
    %mul3A_48 = arith.mulf %div3A_41, %div3A_41 : vector<256xf32>
    %sub3A_49 = arith.subf %div3A_47, %mul3A_48 : vector<256xf32>
    %broadcast_in_dim3A_50 = vector.shape_cast %div3A_41 : vector<256xf32> to vector<1x256xf32>
    %sub3A_51 = vector.broadcast %broadcast_in_dim3A_50 : vector<1x256xf32> to vector<16x256xf32>
    %sub3A_52 = arith.subf %add3A_36, %sub3A_51 : vector<16x256xf32>
    %add3A_53 = arith.constant 9.99999974E-6 : f32
    %add3A_54 = vector.broadcast %add3A_53 : f32 to vector<256xf32>
    %add3A_55 = arith.addf %sub3A_49, %add3A_54 : vector<256xf32>
    %rsqrt3A_56 = math.rsqrt %add3A_55 : vector<256xf32>
    %broadcast_in_dim3A_57 = vector.shape_cast %rsqrt3A_56 : vector<256xf32> to vector<1x256xf32>
    %mul3A_58 = vector.broadcast %broadcast_in_dim3A_57 : vector<1x256xf32> to vector<16x256xf32>
    %mul3A_59 = arith.mulf %sub3A_52, %mul3A_58 : vector<16x256xf32>
    %gt3A_60 = arith.constant 0.000000e+00 : f32
    %gt3A_61 = vector.broadcast %gt3A_60 : f32 to vector<16x256xf32>
    %gt3A_62 = arith.cmpf ogt, %mul3A_59, %gt3A_61 : vector<16x256xf32>
    %mul3A_63 = arith.constant 2.000000e-01 : f32
    %mul3A_64 = vector.broadcast %mul3A_63 : f32 to vector<16x256xf32>
    %mul3A_65 = arith.mulf %mul3A_64, %mul3A_59 : vector<16x256xf32>
    %select_n3A_66 = arith.select %gt3A_62, %mul3A_59, %mul3A_65 : vector<16x256xi1>, vector<16x256xf32>
    %get3A_67 = arith.constant 0 : index
    %get3A_68 = arith.constant 0 : index
    %get3A_69 = vector.load %arg4[%get3A_67, %get3A_68] : memref<40x256xf32, #tpu.memory_space<vmem>>, vector<40x256xf32>
    %dot_general3A_70 = arith.constant dense<0.000000e+00> : vector<16x40xf32>
    %dot_general3A_71 = tpu.matmul %select_n3A_66, %get3A_69, %dot_general3A_70 {dimension_numbers = #tpu.dot_dimension_numbers<[1], [1], [0], [0], [0, 0, 1, 0], [], []>, transpose_lhs_hint = false} : vector<16x256xf32>, vector<40x256xf32>, vector<16x40xf32> -> vector<16x40xf32>
    %get3A_72 = arith.constant 0 : index
    %get3A_73 = vector.load %arg5[%get3A_72] : memref<40xf32, #tpu.memory_space<vmem>>, vector<40xf32>
    %broadcast_in_dim3A_74 = vector.shape_cast %get3A_73 : vector<40xf32> to vector<1x40xf32>
    %add3A_75 = vector.broadcast %broadcast_in_dim3A_74 : vector<1x40xf32> to vector<16x40xf32>
    %add3A_76 = arith.addf %dot_general3A_71, %add3A_75 : vector<16x40xf32>
    %swap3A = arith.constant 0 : index
    %swap3A_77 = arith.constant 0 : index
    %swap3A_78 = vector.load %arg6[%swap3A, %swap3A_77] : memref<16x40xf32, #tpu.memory_space<vmem>>, vector<16x40xf32>
    tpu.vector_store %arg6[%swap3A, %swap3A_77], %add3A_76 {strides = array<i32>} : memref<16x40xf32, #tpu.memory_space<vmem>>, vector<16x40xf32>,
    return
  }
}

</mosaic_0001>

<sc_bundles>
// kernel: kernel.12.cloned.1.call-start
scs
__scs_entry_jumppad:
0x0: {  	(pc) =	sbr.rel $0x88, $3  }
0x1: {  	(tag) =	ssettag $0x0;
	lr =	simm.s32 $0x1  }
0x2: {  	[smem:$0x3F8E] =	sst lr;
	_ =	strace $0xD0000000  }
0x3: {  	_ = 	snop  }
0x4: {  	_ = 	snop  }
0x5: {  	_ = 	snop  }
0x6: {  	_ = 	snop  }
0x7: {  	_ = 	snop  }
__scs_overlays_trampoline_lowered:
0x8: {  	[smem:$0x3F9D] =	sst s0  }
0x9: {  	[smem:$0x3F9E] =	sst s1  }
0xa: {  	[smem:$0x3F9F] =	sst s2  }
0xb: {  	[smem:$0x3FA0] =	sst s3  }
0xc: {  	[smem:$0x3FA1] =	sst s4  }
0xd: {  	[smem:$0x3FA2] =	sst s5  }
0xe: {  	[smem:$0x3FA3] =	sst s6  }
0xf: {  	[smem:$0x3FA4] =	sst s7  }
0x10: {  	[smem:$0x3FA5] =	sst s8  }
0x11: {  	[smem:$0x3FA6] =	sst s9;
	s0 =	simm.s32 @!p0 $0x0  }
0x12: {  	s1 =	sld [smem:$0x3F8C];
	s0 =	simm.s32 @p0 $0x1  }
0x13: {  	[smem:$0x3FA7] =	sst s0;
	s0 =	simm.s32 @!p1 $0x0  }
0x14: {  	s2 =	sld [smem:$0x3F8B];
	s0 =	simm.s32 @p1 $0x1  }
0x15: {  	[smem:$0x3FA8] =	sst s0;
	s0 =	simm.s32 @!p2 $0x0  }
0x16: {  	s3 =	sld [smem:$0x3FDB];
	s0 =	simm.s32 @p2 $0x1  }
0x17: {  	s4 =	simm.s32 $0x1BF5;
	[smem:$0x3FAA] =	sst s0  }
0x18: {  	s0 =	sld [smem:$0x3F8D];
	_ =	swait.ge [sflag:s4], $0x0  }
0x19: {  	s7 =	sld [smem:$0x3F8E]  }
0x1a: {  	s8 =	sadd.s32 $0xFFFFE003, lr  }
0x1b: {  	s9 =	sadd.s32 $0xFFFFFEF7, lr;
	s5 =	simm.s32 $0xFFFFFFFF;
	p2 =	slt.u32 s8, $0xFFFFF086  }
0x1c: {  	p1 =	slt.u32 s9, $0xF7A;
	s5 =	simm.s32 @!p2 $0x0  }
0x1d: {  	s5 =	simm.s32 @p1 $0x1;
	p0 =	seq.s32 s7, s2  }
0x1e: {  	s7 =	smul.u32 @!p0 $0xF7A, s2;
	p2 =	seq.s32 @!p0 s5, $0x0  }
0x1f: {  	s9 =	smul.u32 $0xF7A, s1;
	s8 =	simm.s32 @!p0 $0x1BF5;
	p2 =	por !p2, p0  }
0x20: {  	[sflag:s8] =	ssyncset.s32 @!p0 $0xFFFFF086;
	s6 =	sadd.s32 @!p0 s3, s7;
	s7 =	simm.s32 @!p0 $0x108  }
0x21: {  	s3 =	sadd.s32 s3, s9;
	s6 =	sadd.s32 @!p0 $0x88, s6;
	s7 =	simm.s32 @p2 $0x1082  }
0x22: {  	[simem:s7], [sflag:s8] =	dma.local @!p0 [hbm:s6], $0xF7A  }
0x23: {  	s9 =	sor.u32 $0xD0000000, s2;
	s6 =	simm.s32 $0x108;
	_ =	swait.ge @!p0 [sflag:s8], $0x0  }
0x24: {  	s3 =	sadd.s32 $0x88, s3;
	s6 =	simm.s32 @!p1 $0x1082;
	[sflag:s4] =	ssyncset.s32 $0xFFFFF086  }
0x25: {  	[simem:s6], [sflag:s4] =	dma.local [hbm:s3], $0xF7A  }
0x26: {  	[smem:$0x3F8E] =	sst s1;
	(tag) =	ssettag s2;
	_ =	strace s9  }
0x27: {  	s1 =	sld [smem:$0x3F9E]  }
0x28: {  	s2 =	sld [smem:$0x3F9F]  }
0x29: {  	s4 =	sld [smem:$0x3FA1]  }
0x2a: {  	p0 =	seq.s32 s5, $0x0;
	s5 =	sld [smem:$0x3FA2]  }
0x2b: {  	s6 =	sld [smem:$0x3FA3]  }
0x2c: {  	s7 =	sld [smem:$0x3FA4]  }
0x2d: {  	s3 =	simm.s32 $0x108;
	s8 =	sld [smem:$0x3FA5]  }
0x2e: {  	s3 =	simm.s32 @!p0 $0x1082;
	s9 =	sld [smem:$0x3FA6]  }
0x2f: {  	lr =	sadd.s32 s0, s3;
	s0 =	sld [smem:$0x3F9D]  }
0x30: {  	s3 =	sld [smem:$0x3FA0]  }
0x31: {  	[smem:$0x3FA9] =	sst s10  }
0x32: {  	s10 =	sld [smem:$0x3FA7];
	_ =	sdelay $0x3  }
0x33: {  	p0 =	seq.s32 s10, $0x1;
	s10 =	sld [smem:$0x3FA9];
	_ =	sdelay $0x3  }
0x34: {  	[smem:$0x3FA9] =	sst s10  }
0x35: {  	s10 =	sld [smem:$0x3FA8];
	_ =	sdelay $0x3  }
0x36: {  	p1 =	seq.s32 s10, $0x1;
	s10 =	sld [smem:$0x3FA9];
	_ =	sdelay $0x3  }
0x37: {  	[smem:$0x3FA9] =	sst s10  }
0x38: {  	s10 =	sld [smem:$0x3FAA]  }
0x39: {  	_ = 	snop;
	(pc) =	sbr.ind lr, $3  }
0x3a: {  	_ = 	snop  }
0x3b: {  	_ = 	snop  }
0x3c: {  	p2 =	seq.s32 s10, $0x1;
	s10 =	sld [smem:$0x3FA9]  }
0x3d: {  	_ =	shalt  }
0x3e: {  	_ =	shalt  }
0x3f: {  	_ =	shalt  }
0x40: {  	_ =	shalt  }
0x41: {  	_ =	shalt  }
0x42: {  	_ =	shalt  }
0x43: {  	_ =	shalt  }
0x44: {  	_ =	shalt  }
0x45: {  	_ =	shalt  }
0x46: {  	_ =	shalt  }
0x47: {  	_ =	shalt  }
0x48: {  	_ =	shalt  }
0x49: {  	_ =	shalt  }
0x4a: {  	_ =	shalt  }
0x4b: {  	_ =	shalt  }
0x4c: {  	_ =	shalt  }
0x4d: {  	_ =	shalt  }
0x4e: {  	_ =	shalt  }
0x4f: {  	_ =	shalt  }
0x50: {  	_ =	shalt  }
0x51: {  	_ =	shalt  }
0x52: {  	_ =	shalt  }
0x53: {  	_ =	shalt  }
0x54: {  	_ =	shalt  }
0x55: {  	_ =	shalt  }
0x56: {  	_ =	shalt  }
0x57: {  	_ =	shalt  }
0x58: {  	_ =	shalt  }
0x59: {  	_ =	shalt  }
0x5a: {  	_ =	shalt  }
0x5b: {  	_ =	shalt  }
0x5c: {  	_ =	shalt  }
0x5d: {  	_ =	shalt  }
0x5e: {  	_ =	shalt  }
0x5f: {  	_ =	shalt  }
0x60: {  	_ =	shalt  }
0x61: {  	_ =	shalt  }
0x62: {  	_ =	shalt  }
0x63: {  	_ =	shalt  }
0x64: {  	_ =	shalt  }
0x65: {  	_ =	shalt  }
0x66: {  	_ =	shalt  }
0x67: {  	_ =	shalt  }
0x68: {  	_ =	shalt  }
0x69: {  	_ =	shalt  }
0x6a: {  	_ =	shalt  }
0x6b: {  	_ =	shalt  }
0x6c: {  	_ =	shalt  }
0x6d: {  	_ =	shalt  }
0x6e: {  	_ =	shalt  }
0x6f: {  	_ =	shalt  }
0x70: {  	_ =	shalt  }
0x71: {  	_ =	shalt  }
0x72: {  	_ =	shalt  }
0x73: {  	_ =	shalt  }
0x74: {  	_ =	shalt  }
0x75: {  	_ =	shalt  }
0x76: {  	_ =	shalt  }
0x77: {  	_ =	shalt  }
0x78: {  	_ =	shalt  }
0x79: {  	_ =	shalt  }
0x7a: {  	_ =	shalt  }
0x7b: {  	_ =	shalt  }
0x7c: {  	_ =	shalt  }
0x7d: {  	_ =	shalt  }
0x7e: {  	_ =	shalt  }
0x7f: {  	_ =	shalt  }
0x80: {  	_ =	shalt  }
0x81: {  	_ =	shalt  }
0x82: {  	_ =	shalt  }
0x83: {  	_ =	shalt  }
0x84: {  	_ =	shalt  }
0x85: {  	_ =	shalt  }
0x86: {  	_ =	shalt  }
0x87: {  	_ =	shalt  }
.Lfunc_end0:
.L_simem_size_0:
called_computation.1_lowered:
.L_overlay_start_0:
0x88: {  	s2 =	sld [smem:$0x3FD9]  }
0x89: {  	s3 =	sld [smem:$0x3FFE];
	_ =	sdelay $0x1  }
0x8a: {  	s1 =	srdreg.scid  }
0x8b: {  	s0 =	sand.u32 $0x1, s1  }
0x8c: {  	s16 =	sshll.u32 s0, $0xA;
	s2 =	sadd.s32 s3, s2  }
0x8d: {  	s2 =	sadd.s32 s2, s16  }
0x8e: {  	[smem:$0x3FB5] =	sst s2  }
0x8f: {  	_ = 	snop  }
0x90: {  	(tm) =	ssettm $0x1  }
0x91: {  	s17 =	sld [smem:$0x3FFB];
	_ =	sdelay $0x3  }
0x92: {  	_ =	strace s17  }
0x93: {  	s2 =	sld [smem:$0x3FFC];
	_ =	sdelay $0x3  }
0x94: {  	_ =	strace s2  }
0x95: {  	s2 =	sld [smem:$0x3FFD];
	_ =	sdelay $0x3  }
0x96: {  	_ =	strace s2  }
0x97: {  	_ =	strace $0x8FFFFFFF  }
0x98: {  	s18 =	sld [smem:$0x3FDB];
	_ =	sdelay $0x1  }
0x99: {  	s19 =	simm.s32 $_scs_section_size  }
0x9a: {  	s4 =	simm.s32 $_size__tile_overlayer_lowered;
	s5 =	simm.s32 $_tile_overlayer_lowered  }
0x9b: {  	s22 =	simm.s32 $0x1BFF;
	s21 =	sshll.u32 s5, $0x1;
	s2 =	sadd.s32 s19, s18  }
0x9c: {  	s6 =	simm.s32 $0x0;
	s20 =	sshll.u32 s4, $0x1;
	s4 =	sadd.s32 s21, s2  }
0x9d: {  	[timem:s6], [sflag:s22] =	dma.local [hbm:s4], s20  }
0x9e: {  	_ =	swait.ge [sflag:s22], s20  }
0x9f: {  	s3 =	ssub.s32 $0x0, s20;
	[sflag:s22] =	ssyncset.done $0x0  }
0xa0: {  	[sflag:s22] =	ssyncadd.s32 s3;
	_ =	sdelay $0x1  }
0xa1: {  	s23 =	simm.s32 $0x1B8B  }
0xa2: {  	_ =	swait.ge [sflag:s23], $0x1  }
0xa3: {  	[sflag:s23] =	ssyncset.done $0x0  }
0xa4: {  	s25 =	simm.s32 $0x1B8E;
	s24 =	sld [smem:$0x3FFE];
	[sflag:s23] =	ssyncadd.s32 $0xFFFFFFFF  }
0xa5: {  	s26 =	simm.s32 $execute0_lowered;
	[smem:$0x3FD2] =	sst s25  }
0xa6: {  	s4 =	sshll.u32 s26, $0x1;
	_ =	strace $0x80000046;
	[dreg:$0x1] =	wrdreg $0xFFFFFFFF  }
0xa7: {  	s28 =	simm.s32 $_size_execute0_lowered;
	s2 =	sadd.s32 s2, s4;
	[dreg:$0x0] =	wrdreg $0x0  }
0xa8: {  	s4 =	sshll.u32 s28, $0x1;
	[dreg:$0x2] =	wrdreg s2  }
0xa9: {  	[dreg:$0x3] =	wrdreg s4  }
0xaa: {  	[dreg:$0x4] =	wrdreg $0xC0  }
0xab: {  	_ =	task [dreg:s6], $0x5FFFF  }
0xac: {  	[dreg:$0x1] =	wrdreg $0xFFFFFFFF  }
0xad: {  	[dreg:$0x0] =	wrdreg $0x60  }
0xae: {  	[dreg:$0x2] =	wrdreg s24  }
0xaf: {  	[dreg:$0x3] =	wrdreg $0x9  }
0xb0: {  	_ =	task.clear_ibuf [dreg:s6], $0x4FFFF;
	_ =	strace $0x90000046  }
0xb1: {  	s29 =	simm.s32 $0x9;
	_ =	strace $0x80000048  }
0xb2: {  	_ =	swait.ge [sflag:s29], $0x1  }
0xb3: {  	[sflag:s29] =	ssyncadd.s32 $0xFFFFFFFF  }
0xb4: {  	_ =	strace $0x90000048  }
0xb5: {  	_ =	sfence  }
0xb6: {  	s30 =	sld [smem:$0x0];
	_ =	sdelay $0x2  }
0xb7: {  	s31 =	sshll.u32 s1, $0xD;
	s1 =	sshrl.u32 s1, $0x2  }
0xb8: {  	s3 =	sand.u32 $0x4000, s31;
	s1 =	sadd.s32 s1, s30  }
0xb9: {  	s0 =	sor.u32 s3, s0;
	s1 =	sshll.u32 s1, $0x11  }
0xba: {  	s0 =	sor.u32 s1, s0  }
0xbb: {  	s0 =	sadd.s32 $0x8F2B, s0  }
0xbc: {  	[sflag:s0] =	ssyncadd.remote.s32 $0x1  }
0xbd: {  	_ =	sfence.sel $0xFFFF  }
0xbe: {  	[dreg:$0x0] =	wrdreg $0xFFFFFFFF;
	(pc) =	sbr.abs _section_cstart, $3  }
0xbf: {  	[dreg:$0x1] =	wrdreg $0xFFFFFFFF  }
0xc0: {  	_ =	task.clear_ibuf [dreg:s6], $0x2FFFF;
	_ =	strace $0x9FFFFFFF  }
0xc1: {  	(tm) =	ssettm $0x7FFFFFFF  }
tec
execute0_lowered:
.L_overlay_start_1:
0x0: {  	(tag) =	ssettag $0x1  }
0x1: {  	s4 =	rddreg [dreg:$0x0]  }
0x2: {  	s0 =	rddreg [dreg:$0x1];
	s2 =	simm.s32 $0x0;
	s1 =	stileid.u32  }
0x3: {  	s3 =	srdreg.scid;
	s10 =	simm.s32 $0x0;
	s6 =	smul.u32 $0x5000, s1  }
0x4: {  	[smem:$0x7FF] =	sst s2;
	s5 =	sand.u32 $0x1, s3;
	s8 =	smul.u32 $0x28000, s1  }
0x5: {  	s3 =	sadd.s32 $0x20000, s4;
	s7 =	smul.u32 $0x2800, s5;
	s9 =	ssub.s32 $0x2, s5  }
0x6: {  	_ =	strace $0x80000047;
	s5 =	smul.u32 $0x14000, s5;
	s30 =	sshrl.u32 s9, $0x1  }
0x7: {  	s8 =	sadd.s32 s8, s4;
	s6 =	sadd.s32 s7, s6;
	s7 =	ssub.s32 s9, s30  }
0x8: {  	s31 =	sadd.s32 s5, s8;
	s8 =	simm.s32 $0x280;
	s6 =	sshrl.u32 s6, $0x3  }
0x9: {  	s9 =	simm.s32 $0x1;
	s6 =	sadd.s32 s6, s4;
	s4 =	smax.u32 s7, $0x1  }
0xa: {  	s7 =	simm.s32 $0x2;
	s5 =	sadd.s32 $0x282000, s6;
	s6 =	sadd.s32 $0x28C000, s31  }
.LBB2_1:
0xb: {  	s11 =	sadd.s32 $0x0, s5  }
0xc: {  	[tilespmem:s2], [sflag:$0x2] =	stream.linear.gather [hbm4b:s11+s2], $0x280, $0x38;
	[tilespmem:$0xA280] =	vst v63  }
0xd: {  	_ =	swait.ge [sflag:s7], $0x280  }
0xe: {  	[sflag:s7] =	ssyncset.done $0x0  }
0xf: {  	[sflag:s7] =	ssyncadd.s32 $0xFFFFFD80  }
0x10: {  	[tilespmem:s8], [sflag:$0x1] =	stream.indirect.gather [hbm4b:s3+s8], $0x40, s2, s8, $0xb8;
	[tilespmem:$0xA280] =	vst v63  }
0x11: {  	_ =	swait.ge [sflag:s9], $0xA000  }
0x12: {  	[sflag:s9] =	ssyncset.done $0x0  }
0x13: {  	[sflag:s9] =	ssyncadd.s32 $0xFFFF6000  }
0x14: {  	[hbm4b:s6+s2] =	stream.linear.scatter [tilespmem:s8], [sflag:$0x2], $0xA000, $0x38;
	[tilespmem:$0xA280] =	vst v63  }
0x15: {  	s12 =	simm.s32 $0x50;
	_ =	swait.ge [sflag:s7], $0xA000  }
0x16: {  	s13 =	simm.s32 $0xA0;
	s11 =	sadd.s32 $0x1400, s6;
	[sflag:s7] =	ssyncset.done $0x0  }
.LBB2_2:
0x17: {  	s14 =	sadd.s32 s12, s5  }
0x18: {  	[sflag:s7] =	ssyncadd.s32 $0xFFFF6000;
	s12 =	smov.u32 s13;
	s15 =	sadd.s32 $0x50, s13  }
0x19: {  	[tilespmem:s2], [sflag:$0x2] =	stream.linear.gather [hbm4b:s14+s2], $0x280, $0x38;
	[tilespmem:$0xA280] =	vst v63  }
0x1a: {  	p0 =	sne.s32 s13, $0x4B0;
	_ =	swait.ge [sflag:s7], $0x280  }
0x1b: {  	[sflag:s7] =	ssyncset.done $0x0  }
0x1c: {  	[sflag:s7] =	ssyncadd.s32 $0xFFFFFD80  }
0x1d: {  	[tilespmem:s8], [sflag:$0x1] =	stream.indirect.gather [hbm4b:s3+s8], $0x40, s2, s8, $0xb8;
	[tilespmem:$0xA280] =	vst v63  }
0x1e: {  	_ =	swait.ge [sflag:s9], $0xA000  }
.Ltmp0:
0x1f: {  	[sflag:s9] =	ssyncset.done $0x0;
	(pc) =	sbr.rel @p0 .LBB2_2-.Ltmp0, $4  }
0x20: {  	[sflag:s9] =	ssyncadd.s32 $0xFFFF6000  }
0x21: {  	[hbm4b:s11+s2] =	stream.linear.scatter [tilespmem:s8], [sflag:$0x2], $0xA000, $0x38;
	[tilespmem:$0xA280] =	vst v63  }
0x22: {  	_ =	swait.ge [sflag:s7], $0xA000  }
0x23: {  	s13 =	smov.u32 s15;
	s11 =	sadd.s32 $0x1400, s11;
	[sflag:s7] =	ssyncset.done $0x0  }
0x24: {  	s12 =	sadd.s32 s12, s5;
	[sflag:s7] =	ssyncadd.s32 $0xFFFF6000  }
0x25: {  	[tilespmem:s2], [sflag:$0x2] =	stream.linear.gather [hbm4b:s12+s2], $0x280, $0x38;
	[tilespmem:$0xA280] =	vst v63  }
0x26: {  	_ =	swait.ge [sflag:s7], $0x280  }
0x27: {  	[sflag:s7] =	ssyncset.done $0x0  }
0x28: {  	[sflag:s7] =	ssyncadd.s32 $0xFFFFFD80  }
0x29: {  	[tilespmem:s8], [sflag:$0x1] =	stream.indirect.gather [hbm4b:s3+s8], $0x40, s2, s8, $0xb8;
	[tilespmem:$0xA280] =	vst v63  }
0x2a: {  	s10 =	sadd.s32 $0x1, s10;
	_ =	swait.ge [sflag:s9], $0xA000  }
0x2b: {  	p0 =	sne.s32 s10, s4;
	[sflag:s9] =	ssyncset.done $0x0  }
.Ltmp1:
0x2c: {  	[sflag:s9] =	ssyncadd.s32 $0xFFFF6000;
	(pc) =	sbr.rel @p0 .LBB2_1-.Ltmp1, $4  }
0x2d: {  	[hbm4b:s11+s2] =	stream.linear.scatter [tilespmem:s8], [sflag:$0x2], $0xA000, $0x38;
	[tilespmem:$0xA280] =	vst v63  }
0x2e: {  	_ =	swait.ge [sflag:s7], $0xA000  }
0x2f: {  	[sflag:s7] =	ssyncset.done $0x0  }
0x30: {  	[sflag:s7] =	ssyncadd.s32 $0xFFFF6000  }
0x31: {  	_ =	sfence.sel $0x180000  }
0x32: {  	[bflag:$0x0] =	sbarrier.arrive $0xFFFF  }
0x33: {  	p0 =	sne.s32 s1, $0x0;
	_ =	strace $0x90000047  }
0x34: {  	s0 =	sadd.s32 @!p0 $0x100000, s0;
	[bflag:$0x2] =	sbarrier.arrive $0xFFFF  }
0x35: {  	[sflag:s0] =	ssyncadd.tile.s32 @!p0 $0x1;
	_ =	shalt  }
.Lfunc_end2:
_tile_overlayer_lowered:
.L_overlay_start_2:
0x36: {  	(tag) =	ssettag $0x2  }
0x37: {  	s0 =	rddreg [dreg:$0x0];
	s2 =	stileid.u32  }
0x38: {  	s1 =	rddreg [dreg:$0x1];
	p0 =	sne.s32 s2, $0x0  }
0x39: {  	s3 =	rddreg [dreg:$0x2];
	[bflag:$0x3] =	sbarrier.arrive $0xFFFF;
	s2 =	simm.s32 @!p0 $0x1C02  }
0x3a: {  	[timem:s3], [sflag:s2] =	dma.local @!p0 [hbm:s0], s1  }
0x3b: {  	s0 =	simm.s32 @!p0 $0x2  }
0x3c: {  	_ =	swait.ge @!p0 [sflag:s0], s1  }
0x3d: {  	s1 =	ssub.s32 @!p0 $0x0, s1;
	[sflag:s0] =	ssyncset.done @!p0 $0x0  }
0x3e: {  	[sflag:s0] =	ssyncadd.s32 @!p0 s1  }
0x3f: {  	[bflag:$0x3] =	sbarrier.arrive $0xFFFF  }
0x40: {  	_ =	shalt  }

// kernel: kernel.15.cloned.1.call-start
scs
__scs_entry_jumppad:
0x0: {  	(pc) =	sbr.rel $0x88, $3  }
0x1: {  	(tag) =	ssettag $0x0;
	lr =	simm.s32 $0x1  }
0x2: {  	[smem:$0x3F8E] =	sst lr;
	_ =	strace $0xD0000000  }
0x3: {  	_ = 	snop  }
0x4: {  	_ = 	snop  }
0x5: {  	_ = 	snop  }
0x6: {  	_ = 	snop  }
0x7: {  	_ = 	snop  }
__scs_overlays_trampoline_lowered:
0x8: {  	[smem:$0x3F9D] =	sst s0  }
0x9: {  	[smem:$0x3F9E] =	sst s1  }
0xa: {  	[smem:$0x3F9F] =	sst s2  }
0xb: {  	[smem:$0x3FA0] =	sst s3  }
0xc: {  	[smem:$0x3FA1] =	sst s4  }
0xd: {  	[smem:$0x3FA2] =	sst s5  }
0xe: {  	[smem:$0x3FA3] =	sst s6  }
0xf: {  	[smem:$0x3FA4] =	sst s7  }
0x10: {  	[smem:$0x3FA5] =	sst s8  }
0x11: {  	[smem:$0x3FA6] =	sst s9;
	s0 =	simm.s32 @!p0 $0x0  }
0x12: {  	s1 =	sld [smem:$0x3F8C];
	s0 =	simm.s32 @p0 $0x1  }
0x13: {  	[smem:$0x3FA7] =	sst s0;
	s0 =	simm.s32 @!p1 $0x0  }
0x14: {  	s2 =	sld [smem:$0x3F8B];
	s0 =	simm.s32 @p1 $0x1  }
0x15: {  	[smem:$0x3FA8] =	sst s0;
	s0 =	simm.s32 @!p2 $0x0  }
0x16: {  	s3 =	sld [smem:$0x3FDB];
	s0 =	simm.s32 @p2 $0x1  }
0x17: {  	s4 =	simm.s32 $0x1BF5;
	[smem:$0x3FAA] =	sst s0  }
0x18: {  	s0 =	sld [smem:$0x3F8D];
	_ =	swait.ge [sflag:s4], $0x0  }
0x19: {  	s7 =	sld [smem:$0x3F8E]  }
0x1a: {  	s8 =	sadd.s32 $0xFFFFE003, lr  }
0x1b: {  	s9 =	sadd.s32 $0xFFFFFEF7, lr;
	s5 =	simm.s32 $0xFFFFFFFF;
	p2 =	slt.u32 s8, $0xFFFFF086  }
0x1c: {  	p1 =	slt.u32 s9, $0xF7A;
	s5 =	simm.s32 @!p2 $0x0  }
0x1d: {  	s5 =	simm.s32 @p1 $0x1;
	p0 =	seq.s32 s7, s2  }
0x1e: {  	s7 =	smul.u32 @!p0 $0xF7A, s2;
	p2 =	seq.s32 @!p0 s5, $0x0  }
0x1f: {  	s9 =	smul.u32 $0xF7A, s1;
	s8 =	simm.s32 @!p0 $0x1BF5;
	p2 =	por !p2, p0  }
0x20: {  	[sflag:s8] =	ssyncset.s32 @!p0 $0xFFFFF086;
	s6 =	sadd.s32 @!p0 s3, s7;
	s7 =	simm.s32 @!p0 $0x108  }
0x21: {  	s3 =	sadd.s32 s3, s9;
	s6 =	sadd.s32 @!p0 $0x88, s6;
	s7 =	simm.s32 @p2 $0x1082  }
0x22: {  	[simem:s7], [sflag:s8] =	dma.local @!p0 [hbm:s6], $0xF7A  }
0x23: {  	s9 =	sor.u32 $0xD0000000, s2;
	s6 =	simm.s32 $0x108;
	_ =	swait.ge @!p0 [sflag:s8], $0x0  }
0x24: {  	s3 =	sadd.s32 $0x88, s3;
	s6 =	simm.s32 @!p1 $0x1082;
	[sflag:s4] =	ssyncset.s32 $0xFFFFF086  }
0x25: {  	[simem:s6], [sflag:s4] =	dma.local [hbm:s3], $0xF7A  }
0x26: {  	[smem:$0x3F8E] =	sst s1;
	(tag) =	ssettag s2;
	_ =	strace s9  }
0x27: {  	s1 =	sld [smem:$0x3F9E]  }
0x28: {  	s2 =	sld [smem:$0x3F9F]  }
0x29: {  	s4 =	sld [smem:$0x3FA1]  }
0x2a: {  	p0 =	seq.s32 s5, $0x0;
	s5 =	sld [smem:$0x3FA2]  }
0x2b: {  	s6 =	sld [smem:$0x3FA3]  }
0x2c: {  	s7 =	sld [smem:$0x3FA4]  }
0x2d: {  	s3 =	simm.s32 $0x108;
	s8 =	sld [smem:$0x3FA5]  }
0x2e: {  	s3 =	simm.s32 @!p0 $0x1082;
	s9 =	sld [smem:$0x3FA6]  }
0x2f: {  	lr =	sadd.s32 s0, s3;
	s0 =	sld [smem:$0x3F9D]  }
0x30: {  	s3 =	sld [smem:$0x3FA0]  }
0x31: {  	[smem:$0x3FA9] =	sst s10  }
0x32: {  	s10 =	sld [smem:$0x3FA7];
	_ =	sdelay $0x3  }
0x33: {  	p0 =	seq.s32 s10, $0x1;
	s10 =	sld [smem:$0x3FA9];
	_ =	sdelay $0x3  }
0x34: {  	[smem:$0x3FA9] =	sst s10  }
0x35: {  	s10 =	sld [smem:$0x3FA8];
	_ =	sdelay $0x3  }
0x36: {  	p1 =	seq.s32 s10, $0x1;
	s10 =	sld [smem:$0x3FA9];
	_ =	sdelay $0x3  }
0x37: {  	[smem:$0x3FA9] =	sst s10  }
0x38: {  	s10 =	sld [smem:$0x3FAA]  }
0x39: {  	_ = 	snop;
	(pc) =	sbr.ind lr, $3  }
0x3a: {  	_ = 	snop  }
0x3b: {  	_ = 	snop  }
0x3c: {  	p2 =	seq.s32 s10, $0x1;
	s10 =	sld [smem:$0x3FA9]  }
0x3d: {  	_ =	shalt  }
0x3e: {  	_ =	shalt  }
0x3f: {  	_ =	shalt  }
0x40: {  	_ =	shalt  }
0x41: {  	_ =	shalt  }
0x42: {  	_ =	shalt  }
0x43: {  	_ =	shalt  }
0x44: {  	_ =	shalt  }
0x45: {  	_ =	shalt  }
0x46: {  	_ =	shalt  }
0x47: {  	_ =	shalt  }
0x48: {  	_ =	shalt  }
0x49: {  	_ =	shalt  }
0x4a: {  	_ =	shalt  }
0x4b: {  	_ =	shalt  }
0x4c: {  	_ =	shalt  }
0x4d: {  	_ =	shalt  }
0x4e: {  	_ =	shalt  }
0x4f: {  	_ =	shalt  }
0x50: {  	_ =	shalt  }
0x51: {  	_ =	shalt  }
0x52: {  	_ =	shalt  }
0x53: {  	_ =	shalt  }
0x54: {  	_ =	shalt  }
0x55: {  	_ =	shalt  }
0x56: {  	_ =	shalt  }
0x57: {  	_ =	shalt  }
0x58: {  	_ =	shalt  }
0x59: {  	_ =	shalt  }
0x5a: {  	_ =	shalt  }
0x5b: {  	_ =	shalt  }
0x5c: {  	_ =	shalt  }
0x5d: {  	_ =	shalt  }
0x5e: {  	_ =	shalt  }
0x5f: {  	_ =	shalt  }
0x60: {  	_ =	shalt  }
0x61: {  	_ =	shalt  }
0x62: {  	_ =	shalt  }
0x63: {  	_ =	shalt  }
0x64: {  	_ =	shalt  }
0x65: {  	_ =	shalt  }
0x66: {  	_ =	shalt  }
0x67: {  	_ =	shalt  }
0x68: {  	_ =	shalt  }
0x69: {  	_ =	shalt  }
0x6a: {  	_ =	shalt  }
0x6b: {  	_ =	shalt  }
0x6c: {  	_ =	shalt  }
0x6d: {  	_ =	shalt  }
0x6e: {  	_ =	shalt  }
0x6f: {  	_ =	shalt  }
0x70: {  	_ =	shalt  }
0x71: {  	_ =	shalt  }
0x72: {  	_ =	shalt  }
0x73: {  	_ =	shalt  }
0x74: {  	_ =	shalt  }
0x75: {  	_ =	shalt  }
0x76: {  	_ =	shalt  }
0x77: {  	_ =	shalt  }
0x78: {  	_ =	shalt  }
0x79: {  	_ =	shalt  }
0x7a: {  	_ =	shalt  }
0x7b: {  	_ =	shalt  }
0x7c: {  	_ =	shalt  }
0x7d: {  	_ =	shalt  }
0x7e: {  	_ =	shalt  }
0x7f: {  	_ =	shalt  }
0x80: {  	_ =	shalt  }
0x81: {  	_ =	shalt  }
0x82: {  	_ =	shalt  }
0x83: {  	_ =	shalt  }
0x84: {  	_ =	shalt  }
0x85: {  	_ =	shalt  }
0x86: {  	_ =	shalt  }
0x87: {  	_ =	shalt  }
.Lfunc_end0:
.L_simem_size_0:
called_computation.2_lowered:
.L_overlay_start_0:
0x88: {  	s2 =	sld [smem:$0x3FD9]  }
0x89: {  	s3 =	sld [smem:$0x3FFE];
	_ =	sdelay $0x1  }
0x8a: {  	s1 =	srdreg.scid  }
0x8b: {  	s0 =	sand.u32 $0x1, s1  }
0x8c: {  	s16 =	sshll.u32 s0, $0xA;
	s2 =	sadd.s32 s3, s2  }
0x8d: {  	s2 =	sadd.s32 s2, s16  }
0x8e: {  	[smem:$0x3FB5] =	sst s2  }
0x8f: {  	_ = 	snop  }
0x90: {  	(tm) =	ssettm $0x1  }
0x91: {  	s17 =	sld [smem:$0x3FFB];
	_ =	sdelay $0x3  }
0x92: {  	_ =	strace s17  }
0x93: {  	s2 =	sld [smem:$0x3FFC];
	_ =	sdelay $0x3  }
0x94: {  	_ =	strace s2  }
0x95: {  	s2 =	sld [smem:$0x3FFD];
	_ =	sdelay $0x3  }
0x96: {  	_ =	strace s2  }
0x97: {  	_ =	strace $0x8FFFFFFF  }
0x98: {  	s18 =	sld [smem:$0x3FDB];
	_ =	sdelay $0x1  }
0x99: {  	s19 =	simm.s32 $_scs_section_size  }
0x9a: {  	s4 =	simm.s32 $_size__tile_overlayer_lowered;
	s5 =	simm.s32 $_tile_overlayer_lowered  }
0x9b: {  	s22 =	simm.s32 $0x1BFF;
	s21 =	sshll.u32 s5, $0x1;
	s2 =	sadd.s32 s19, s18  }
0x9c: {  	s6 =	simm.s32 $0x0;
	s20 =	sshll.u32 s4, $0x1;
	s4 =	sadd.s32 s21, s2  }
0x9d: {  	[timem:s6], [sflag:s22] =	dma.local [hbm:s4], s20  }
0x9e: {  	_ =	swait.ge [sflag:s22], s20  }
0x9f: {  	s3 =	ssub.s32 $0x0, s20;
	[sflag:s22] =	ssyncset.done $0x0  }
0xa0: {  	[sflag:s22] =	ssyncadd.s32 s3;
	_ =	sdelay $0x1  }
0xa1: {  	s23 =	simm.s32 $0x1B8B  }
0xa2: {  	_ =	swait.ge [sflag:s23], $0x1  }
0xa3: {  	[sflag:s23] =	ssyncset.done $0x0  }
0xa4: {  	s25 =	simm.s32 $0x1B8E;
	s24 =	sld [smem:$0x3FFE];
	[sflag:s23] =	ssyncadd.s32 $0xFFFFFFFF  }
0xa5: {  	s26 =	simm.s32 $execute0_lowered;
	[smem:$0x3FD2] =	sst s25  }
0xa6: {  	s4 =	sshll.u32 s26, $0x1;
	_ =	strace $0x8000004C;
	[dreg:$0x1] =	wrdreg $0xFFFFFFFF  }
0xa7: {  	s28 =	simm.s32 $_size_execute0_lowered;
	s2 =	sadd.s32 s2, s4;
	[dreg:$0x0] =	wrdreg $0x0  }
0xa8: {  	s4 =	sshll.u32 s28, $0x1;
	[dreg:$0x2] =	wrdreg s2  }
0xa9: {  	[dreg:$0x3] =	wrdreg s4  }
0xaa: {  	[dreg:$0x4] =	wrdreg $0xC0  }
0xab: {  	_ =	task [dreg:s6], $0x5FFFF  }
0xac: {  	[dreg:$0x1] =	wrdreg $0xFFFFFFFF  }
0xad: {  	[dreg:$0x0] =	wrdreg $0x60  }
0xae: {  	[dreg:$0x2] =	wrdreg s24  }
0xaf: {  	[dreg:$0x3] =	wrdreg $0x9  }
0xb0: {  	_ =	task.clear_ibuf [dreg:s6], $0x4FFFF;
	_ =	strace $0x9000004C  }
0xb1: {  	s29 =	simm.s32 $0x9;
	_ =	strace $0x8000004E  }
0xb2: {  	_ =	swait.ge [sflag:s29], $0x1  }
0xb3: {  	[sflag:s29] =	ssyncadd.s32 $0xFFFFFFFF  }
0xb4: {  	_ =	strace $0x9000004E  }
0xb5: {  	_ =	sfence  }
0xb6: {  	s30 =	sld [smem:$0x0];
	_ =	sdelay $0x2  }
0xb7: {  	s31 =	sshll.u32 s1, $0xD;
	s1 =	sshrl.u32 s1, $0x2  }
0xb8: {  	s3 =	sand.u32 $0x4000, s31;
	s1 =	sadd.s32 s1, s30  }
0xb9: {  	s0 =	sor.u32 s3, s0;
	s1 =	sshll.u32 s1, $0x11  }
0xba: {  	s0 =	sor.u32 s1, s0  }
0xbb: {  	s0 =	sadd.s32 $0x8F2B, s0  }
0xbc: {  	[sflag:s0] =	ssyncadd.remote.s32 $0x1  }
0xbd: {  	_ =	sfence.sel $0xFFFF  }
0xbe: {  	[dreg:$0x0] =	wrdreg $0xFFFFFFFF;
	(pc) =	sbr.abs _section_cstart, $3  }
0xbf: {  	[dreg:$0x1] =	wrdreg $0xFFFFFFFF  }
0xc0: {  	_ =	task.clear_ibuf [dreg:s6], $0x2FFFF;
	_ =	strace $0x9FFFFFFF  }
0xc1: {  	(tm) =	ssettm $0x7FFFFFFF  }
tec
execute0_lowered:
.L_overlay_start_1:
0x0: {  	(tag) =	ssettag $0x1  }
0x1: {  	s4 =	rddreg [dreg:$0x0]  }
0x2: {  	s0 =	rddreg [dreg:$0x1];
	s2 =	simm.s32 $0x0;
	s1 =	stileid.u32  }
0x3: {  	s3 =	srdreg.scid;
	s10 =	simm.s32 $0x0;
	s6 =	smul.u32 $0x5000, s1  }
0x4: {  	[smem:$0x7FF] =	sst s2;
	s5 =	sand.u32 $0x1, s3;
	s8 =	smul.u32 $0x28000, s1  }
0x5: {  	s3 =	sadd.s32 $0x482000, s4;
	s7 =	smul.u32 $0x2800, s5;
	s9 =	ssub.s32 $0x2, s5  }
0x6: {  	_ =	strace $0x8000004D;
	s5 =	smul.u32 $0x14000, s5;
	s30 =	sshrl.u32 s9, $0x1  }
0x7: {  	s8 =	sadd.s32 s8, s4;
	s6 =	sadd.s32 s7, s6;
	s7 =	ssub.s32 s9, s30  }
0x8: {  	s31 =	sadd.s32 s5, s8;
	s8 =	simm.s32 $0x280;
	s6 =	sshrl.u32 s6, $0x3  }
0x9: {  	s9 =	simm.s32 $0x1;
	s6 =	sadd.s32 s6, s4;
	s4 =	smax.u32 s7, $0x1  }
0xa: {  	s7 =	simm.s32 $0x2;
	s5 =	sadd.s32 $0x282000, s6;
	s6 =	sadd.s32 $0x4A2000, s31  }
.LBB2_1:
0xb: {  	s11 =	sadd.s32 $0x0, s5  }
0xc: {  	[tilespmem:s2], [sflag:$0x2] =	stream.linear.gather [hbm4b:s11+s2], $0x280, $0x38;
	[tilespmem:$0xA280] =	vst v63  }
0xd: {  	_ =	swait.ge [sflag:s7], $0x280  }
0xe: {  	[sflag:s7] =	ssyncset.done $0x0  }
0xf: {  	[sflag:s7] =	ssyncadd.s32 $0xFFFFFD80  }
0x10: {  	[tilespmem:s8], [sflag:$0x1] =	stream.indirect.gather [hbm4b:s3+s8], $0x40, s2, s8, $0xb8;
	[tilespmem:$0xA280] =	vst v63  }
0x11: {  	_ =	swait.ge [sflag:s9], $0xA000  }
0x12: {  	[sflag:s9] =	ssyncset.done $0x0  }
0x13: {  	[sflag:s9] =	ssyncadd.s32 $0xFFFF6000  }
0x14: {  	[hbm4b:s6+s2] =	stream.linear.scatter [tilespmem:s8], [sflag:$0x2], $0xA000, $0x38;
	[tilespmem:$0xA280] =	vst v63  }
0x15: {  	s12 =	simm.s32 $0x50;
	_ =	swait.ge [sflag:s7], $0xA000  }
0x16: {  	s13 =	simm.s32 $0xA0;
	s11 =	sadd.s32 $0x1400, s6;
	[sflag:s7] =	ssyncset.done $0x0  }
.LBB2_2:
0x17: {  	s14 =	sadd.s32 s12, s5  }
0x18: {  	[sflag:s7] =	ssyncadd.s32 $0xFFFF6000;
	s12 =	smov.u32 s13;
	s15 =	sadd.s32 $0x50, s13  }
0x19: {  	[tilespmem:s2], [sflag:$0x2] =	stream.linear.gather [hbm4b:s14+s2], $0x280, $0x38;
	[tilespmem:$0xA280] =	vst v63  }
0x1a: {  	p0 =	sne.s32 s13, $0x4B0;
	_ =	swait.ge [sflag:s7], $0x280  }
0x1b: {  	[sflag:s7] =	ssyncset.done $0x0  }
0x1c: {  	[sflag:s7] =	ssyncadd.s32 $0xFFFFFD80  }
0x1d: {  	[tilespmem:s8], [sflag:$0x1] =	stream.indirect.gather [hbm4b:s3+s8], $0x40, s2, s8, $0xb8;
	[tilespmem:$0xA280] =	vst v63  }
0x1e: {  	_ =	swait.ge [sflag:s9], $0xA000  }
.Ltmp0:
0x1f: {  	[sflag:s9] =	ssyncset.done $0x0;
	(pc) =	sbr.rel @p0 .LBB2_2-.Ltmp0, $4  }
0x20: {  	[sflag:s9] =	ssyncadd.s32 $0xFFFF6000  }
0x21: {  	[hbm4b:s11+s2] =	stream.linear.scatter [tilespmem:s8], [sflag:$0x2], $0xA000, $0x38;
	[tilespmem:$0xA280] =	vst v63  }
0x22: {  	_ =	swait.ge [sflag:s7], $0xA000  }
0x23: {  	s13 =	smov.u32 s15;
	s11 =	sadd.s32 $0x1400, s11;
	[sflag:s7] =	ssyncset.done $0x0  }
0x24: {  	s12 =	sadd.s32 s12, s5;
	[sflag:s7] =	ssyncadd.s32 $0xFFFF6000  }
0x25: {  	[tilespmem:s2], [sflag:$0x2] =	stream.linear.gather [hbm4b:s12+s2], $0x280, $0x38;
	[tilespmem:$0xA280] =	vst v63  }
0x26: {  	_ =	swait.ge [sflag:s7], $0x280  }
0x27: {  	[sflag:s7] =	ssyncset.done $0x0  }
0x28: {  	[sflag:s7] =	ssyncadd.s32 $0xFFFFFD80  }
0x29: {  	[tilespmem:s8], [sflag:$0x1] =	stream.indirect.gather [hbm4b:s3+s8], $0x40, s2, s8, $0xb8;
	[tilespmem:$0xA280] =	vst v63  }
0x2a: {  	s10 =	sadd.s32 $0x1, s10;
	_ =	swait.ge [sflag:s9], $0xA000  }
0x2b: {  	p0 =	sne.s32 s10, s4;
	[sflag:s9] =	ssyncset.done $0x0  }
.Ltmp1:
0x2c: {  	[sflag:s9] =	ssyncadd.s32 $0xFFFF6000;
	(pc) =	sbr.rel @p0 .LBB2_1-.Ltmp1, $4  }
0x2d: {  	[hbm4b:s11+s2] =	stream.linear.scatter [tilespmem:s8], [sflag:$0x2], $0xA000, $0x38;
	[tilespmem:$0xA280] =	vst v63  }
0x2e: {  	_ =	swait.ge [sflag:s7], $0xA000  }
0x2f: {  	[sflag:s7] =	ssyncset.done $0x0  }
0x30: {  	[sflag:s7] =	ssyncadd.s32 $0xFFFF6000  }
0x31: {  	_ =	sfence.sel $0x180000  }
0x32: {  	[bflag:$0x0] =	sbarrier.arrive $0xFFFF  }
0x33: {  	p0 =	sne.s32 s1, $0x0;
	_ =	strace $0x9000004D  }
0x34: {  	s0 =	sadd.s32 @!p0 $0x100000, s0;
	[bflag:$0x2] =	sbarrier.arrive $0xFFFF  }
0x35: {  	[sflag:s0] =	ssyncadd.tile.s32 @!p0 $0x1;
	_ =	shalt  }
.Lfunc_end2:
_tile_overlayer_lowered:
.L_overlay_start_2:
0x36: {  	(tag) =	ssettag $0x2  }
0x37: {  	s0 =	rddreg [dreg:$0x0];
	s2 =	stileid.u32  }
0x38: {  	s1 =	rddreg [dreg:$0x1];
	p0 =	sne.s32 s2, $0x0  }
0x39: {  	s3 =	rddreg [dreg:$0x2];
	[bflag:$0x3] =	sbarrier.arrive $0xFFFF;
	s2 =	simm.s32 @!p0 $0x1C02  }
0x3a: {  	[timem:s3], [sflag:s2] =	dma.local @!p0 [hbm:s0], s1  }
0x3b: {  	s0 =	simm.s32 @!p0 $0x2  }
0x3c: {  	_ =	swait.ge @!p0 [sflag:s0], s1  }
0x3d: {  	s1 =	ssub.s32 @!p0 $0x0, s1;
	[sflag:s0] =	ssyncset.done @!p0 $0x0  }
0x3e: {  	[sflag:s0] =	ssyncadd.s32 @!p0 s1  }
0x3f: {  	[bflag:$0x3] =	sbarrier.arrive $0xFFFF  }
0x40: {  	_ =	shalt  }

// kernel: kernel.18.cloned.1.call-start
scs
__scs_entry_jumppad:
0x0: {  	(pc) =	sbr.rel $0x88, $3  }
0x1: {  	(tag) =	ssettag $0x0;
	lr =	simm.s32 $0x1  }
0x2: {  	[smem:$0x3F8E] =	sst lr;
	_ =	strace $0xD0000000  }
0x3: {  	_ = 	snop  }
0x4: {  	_ = 	snop  }
0x5: {  	_ = 	snop  }
0x6: {  	_ = 	snop  }
0x7: {  	_ = 	snop  }
__scs_overlays_trampoline_lowered:
0x8: {  	[smem:$0x3F9D] =	sst s0  }
0x9: {  	[smem:$0x3F9E] =	sst s1  }
0xa: {  	[smem:$0x3F9F] =	sst s2  }
0xb: {  	[smem:$0x3FA0] =	sst s3  }
0xc: {  	[smem:$0x3FA1] =	sst s4  }
0xd: {  	[smem:$0x3FA2] =	sst s5  }
0xe: {  	[smem:$0x3FA3] =	sst s6  }
0xf: {  	[smem:$0x3FA4] =	sst s7  }
0x10: {  	[smem:$0x3FA5] =	sst s8  }
0x11: {  	[smem:$0x3FA6] =	sst s9;
	s0 =	simm.s32 @!p0 $0x0  }
0x12: {  	s1 =	sld [smem:$0x3F8C];
	s0 =	simm.s32 @p0 $0x1  }
0x13: {  	[smem:$0x3FA7] =	sst s0;
	s0 =	simm.s32 @!p1 $0x0  }
0x14: {  	s2 =	sld [smem:$0x3F8B];
	s0 =	simm.s32 @p1 $0x1  }
0x15: {  	[smem:$0x3FA8] =	sst s0;
	s0 =	simm.s32 @!p2 $0x0  }
0x16: {  	s3 =	sld [smem:$0x3FDB];
	s0 =	simm.s32 @p2 $0x1  }
0x17: {  	s4 =	simm.s32 $0x1BF5;
	[smem:$0x3FAA] =	sst s0  }
0x18: {  	s0 =	sld [smem:$0x3F8D];
	_ =	swait.ge [sflag:s4], $0x0  }
0x19: {  	s7 =	sld [smem:$0x3F8E]  }
0x1a: {  	s8 =	sadd.s32 $0xFFFFE003, lr  }
0x1b: {  	s9 =	sadd.s32 $0xFFFFFEF7, lr;
	s5 =	simm.s32 $0xFFFFFFFF;
	p2 =	slt.u32 s8, $0xFFFFF086  }
0x1c: {  	p1 =	slt.u32 s9, $0xF7A;
	s5 =	simm.s32 @!p2 $0x0  }
0x1d: {  	s5 =	simm.s32 @p1 $0x1;
	p0 =	seq.s32 s7, s2  }
0x1e: {  	s7 =	smul.u32 @!p0 $0xF7A, s2;
	p2 =	seq.s32 @!p0 s5, $0x0  }
0x1f: {  	s9 =	smul.u32 $0xF7A, s1;
	s8 =	simm.s32 @!p0 $0x1BF5;
	p2 =	por !p2, p0  }
0x20: {  	[sflag:s8] =	ssyncset.s32 @!p0 $0xFFFFF086;
	s6 =	sadd.s32 @!p0 s3, s7;
	s7 =	simm.s32 @!p0 $0x108  }
0x21: {  	s3 =	sadd.s32 s3, s9;
	s6 =	sadd.s32 @!p0 $0x88, s6;
	s7 =	simm.s32 @p2 $0x1082  }
0x22: {  	[simem:s7], [sflag:s8] =	dma.local @!p0 [hbm:s6], $0xF7A  }
0x23: {  	s9 =	sor.u32 $0xD0000000, s2;
	s6 =	simm.s32 $0x108;
	_ =	swait.ge @!p0 [sflag:s8], $0x0  }
0x24: {  	s3 =	sadd.s32 $0x88, s3;
	s6 =	simm.s32 @!p1 $0x1082;
	[sflag:s4] =	ssyncset.s32 $0xFFFFF086  }
0x25: {  	[simem:s6], [sflag:s4] =	dma.local [hbm:s3], $0xF7A  }
0x26: {  	[smem:$0x3F8E] =	sst s1;
	(tag) =	ssettag s2;
	_ =	strace s9  }
0x27: {  	s1 =	sld [smem:$0x3F9E]  }
0x28: {  	s2 =	sld [smem:$0x3F9F]  }
0x29: {  	s4 =	sld [smem:$0x3FA1]  }
0x2a: {  	p0 =	seq.s32 s5, $0x0;
	s5 =	sld [smem:$0x3FA2]  }
0x2b: {  	s6 =	sld [smem:$0x3FA3]  }
0x2c: {  	s7 =	sld [smem:$0x3FA4]  }
0x2d: {  	s3 =	simm.s32 $0x108;
	s8 =	sld [smem:$0x3FA5]  }
0x2e: {  	s3 =	simm.s32 @!p0 $0x1082;
	s9 =	sld [smem:$0x3FA6]  }
0x2f: {  	lr =	sadd.s32 s0, s3;
	s0 =	sld [smem:$0x3F9D]  }
0x30: {  	s3 =	sld [smem:$0x3FA0]  }
0x31: {  	[smem:$0x3FA9] =	sst s10  }
0x32: {  	s10 =	sld [smem:$0x3FA7];
	_ =	sdelay $0x3  }
0x33: {  	p0 =	seq.s32 s10, $0x1;
	s10 =	sld [smem:$0x3FA9];
	_ =	sdelay $0x3  }
0x34: {  	[smem:$0x3FA9] =	sst s10  }
0x35: {  	s10 =	sld [smem:$0x3FA8];
	_ =	sdelay $0x3  }
0x36: {  	p1 =	seq.s32 s10, $0x1;
	s10 =	sld [smem:$0x3FA9];
	_ =	sdelay $0x3  }
0x37: {  	[smem:$0x3FA9] =	sst s10  }
0x38: {  	s10 =	sld [smem:$0x3FAA]  }
0x39: {  	_ = 	snop;
	(pc) =	sbr.ind lr, $3  }
0x3a: {  	_ = 	snop  }
0x3b: {  	_ = 	snop  }
0x3c: {  	p2 =	seq.s32 s10, $0x1;
	s10 =	sld [smem:$0x3FA9]  }
0x3d: {  	_ =	shalt  }
0x3e: {  	_ =	shalt  }
0x3f: {  	_ =	shalt  }
0x40: {  	_ =	shalt  }
0x41: {  	_ =	shalt  }
0x42: {  	_ =	shalt  }
0x43: {  	_ =	shalt  }
0x44: {  	_ =	shalt  }
0x45: {  	_ =	shalt  }
0x46: {  	_ =	shalt  }
0x47: {  	_ =	shalt  }
0x48: {  	_ =	shalt  }
0x49: {  	_ =	shalt  }
0x4a: {  	_ =	shalt  }
0x4b: {  	_ =	shalt  }
0x4c: {  	_ =	shalt  }
0x4d: {  	_ =	shalt  }
0x4e: {  	_ =	shalt  }
0x4f: {  	_ =	shalt  }
0x50: {  	_ =	shalt  }
0x51: {  	_ =	shalt  }
0x52: {  	_ =	shalt  }
0x53: {  	_ =	shalt  }
0x54: {  	_ =	shalt  }
0x55: {  	_ =	shalt  }
0x56: {  	_ =	shalt  }
0x57: {  	_ =	shalt  }
0x58: {  	_ =	shalt  }
0x59: {  	_ =	shalt  }
0x5a: {  	_ =	shalt  }
0x5b: {  	_ =	shalt  }
0x5c: {  	_ =	shalt  }
0x5d: {  	_ =	shalt  }
0x5e: {  	_ =	shalt  }
0x5f: {  	_ =	shalt  }
0x60: {  	_ =	shalt  }
0x61: {  	_ =	shalt  }
0x62: {  	_ =	shalt  }
0x63: {  	_ =	shalt  }
0x64: {  	_ =	shalt  }
0x65: {  	_ =	shalt  }
0x66: {  	_ =	shalt  }
0x67: {  	_ =	shalt  }
0x68: {  	_ =	shalt  }
0x69: {  	_ =	shalt  }
0x6a: {  	_ =	shalt  }
0x6b: {  	_ =	shalt  }
0x6c: {  	_ =	shalt  }
0x6d: {  	_ =	shalt  }
0x6e: {  	_ =	shalt  }
0x6f: {  	_ =	shalt  }
0x70: {  	_ =	shalt  }
0x71: {  	_ =	shalt  }
0x72: {  	_ =	shalt  }
0x73: {  	_ =	shalt  }
0x74: {  	_ =	shalt  }
0x75: {  	_ =	shalt  }
0x76: {  	_ =	shalt  }
0x77: {  	_ =	shalt  }
0x78: {  	_ =	shalt  }
0x79: {  	_ =	shalt  }
0x7a: {  	_ =	shalt  }
0x7b: {  	_ =	shalt  }
0x7c: {  	_ =	shalt  }
0x7d: {  	_ =	shalt  }
0x7e: {  	_ =	shalt  }
0x7f: {  	_ =	shalt  }
0x80: {  	_ =	shalt  }
0x81: {  	_ =	shalt  }
0x82: {  	_ =	shalt  }
0x83: {  	_ =	shalt  }
0x84: {  	_ =	shalt  }
0x85: {  	_ =	shalt  }
0x86: {  	_ =	shalt  }
0x87: {  	_ =	shalt  }
.Lfunc_end0:
.L_simem_size_0:
called_computation.3_lowered:
.L_overlay_start_0:
0x88: {  	s2 =	sld [smem:$0x3FD9]  }
0x89: {  	s3 =	sld [smem:$0x3FFE];
	_ =	sdelay $0x1  }
0x8a: {  	s1 =	srdreg.scid  }
0x8b: {  	s0 =	sand.u32 $0x1, s1  }
0x8c: {  	s16 =	sshll.u32 s0, $0xA;
	s2 =	sadd.s32 s3, s2  }
0x8d: {  	s2 =	sadd.s32 s2, s16  }
0x8e: {  	[smem:$0x3FB5] =	sst s2  }
0x8f: {  	_ = 	snop  }
0x90: {  	(tm) =	ssettm $0x1  }
0x91: {  	s17 =	sld [smem:$0x3FFB];
	_ =	sdelay $0x3  }
0x92: {  	_ =	strace s17  }
0x93: {  	s2 =	sld [smem:$0x3FFC];
	_ =	sdelay $0x3  }
0x94: {  	_ =	strace s2  }
0x95: {  	s2 =	sld [smem:$0x3FFD];
	_ =	sdelay $0x3  }
0x96: {  	_ =	strace s2  }
0x97: {  	_ =	strace $0x8FFFFFFF  }
0x98: {  	s18 =	sld [smem:$0x3FDB];
	_ =	sdelay $0x1  }
0x99: {  	s19 =	simm.s32 $_scs_section_size  }
0x9a: {  	s4 =	simm.s32 $_size__tile_overlayer_lowered;
	s5 =	simm.s32 $_tile_overlayer_lowered  }
0x9b: {  	s22 =	simm.s32 $0x1BFF;
	s21 =	sshll.u32 s5, $0x1;
	s2 =	sadd.s32 s19, s18  }
0x9c: {  	s6 =	simm.s32 $0x0;
	s20 =	sshll.u32 s4, $0x1;
	s4 =	sadd.s32 s21, s2  }
0x9d: {  	[timem:s6], [sflag:s22] =	dma.local [hbm:s4], s20  }
0x9e: {  	_ =	swait.ge [sflag:s22], s20  }
0x9f: {  	s3 =	ssub.s32 $0x0, s20;
	[sflag:s22] =	ssyncset.done $0x0  }
0xa0: {  	[sflag:s22] =	ssyncadd.s32 s3;
	_ =	sdelay $0x1  }
0xa1: {  	s23 =	simm.s32 $0x1B8B  }
0xa2: {  	_ =	swait.ge [sflag:s23], $0x1  }
0xa3: {  	[sflag:s23] =	ssyncset.done $0x0  }
0xa4: {  	s25 =	simm.s32 $0x1B8E;
	s24 =	sld [smem:$0x3FFE];
	[sflag:s23] =	ssyncadd.s32 $0xFFFFFFFF  }
0xa5: {  	s26 =	simm.s32 $execute0_lowered;
	[smem:$0x3FD2] =	sst s25  }
0xa6: {  	s4 =	sshll.u32 s26, $0x1;
	_ =	strace $0x8000004F;
	[dreg:$0x1] =	wrdreg $0xFFFFFFFF  }
0xa7: {  	s28 =	simm.s32 $_size_execute0_lowered;
	s2 =	sadd.s32 s2, s4;
	[dreg:$0x0] =	wrdreg $0x0  }
0xa8: {  	s4 =	sshll.u32 s28, $0x1;
	[dreg:$0x2] =	wrdreg s2  }
0xa9: {  	[dreg:$0x3] =	wrdreg s4  }
0xaa: {  	[dreg:$0x4] =	wrdreg $0xC0  }
0xab: {  	_ =	task [dreg:s6], $0x5FFFF  }
0xac: {  	[dreg:$0x1] =	wrdreg $0xFFFFFFFF  }
0xad: {  	[dreg:$0x0] =	wrdreg $0x60  }
0xae: {  	[dreg:$0x2] =	wrdreg s24  }
0xaf: {  	[dreg:$0x3] =	wrdreg $0x9  }
0xb0: {  	_ =	task.clear_ibuf [dreg:s6], $0x4FFFF;
	_ =	strace $0x9000004F  }
0xb1: {  	s29 =	simm.s32 $0x9;
	_ =	strace $0x80000051  }
0xb2: {  	_ =	swait.ge [sflag:s29], $0x1  }
0xb3: {  	[sflag:s29] =	ssyncadd.s32 $0xFFFFFFFF  }
0xb4: {  	_ =	strace $0x90000051  }
0xb5: {  	_ =	sfence  }
0xb6: {  	s30 =	sld [smem:$0x0];
	_ =	sdelay $0x2  }
0xb7: {  	s31 =	sshll.u32 s1, $0xD;
	s1 =	sshrl.u32 s1, $0x2  }
0xb8: {  	s3 =	sand.u32 $0x4000, s31;
	s1 =	sadd.s32 s1, s30  }
0xb9: {  	s0 =	sor.u32 s3, s0;
	s1 =	sshll.u32 s1, $0x11  }
0xba: {  	s0 =	sor.u32 s1, s0  }
0xbb: {  	s0 =	sadd.s32 $0x8F2B, s0  }
0xbc: {  	[sflag:s0] =	ssyncadd.remote.s32 $0x1  }
0xbd: {  	_ =	sfence.sel $0xFFFF  }
0xbe: {  	[dreg:$0x0] =	wrdreg $0xFFFFFFFF;
	(pc) =	sbr.abs _section_cstart, $3  }
0xbf: {  	[dreg:$0x1] =	wrdreg $0xFFFFFFFF  }
0xc0: {  	_ =	task.clear_ibuf [dreg:s6], $0x2FFFF;
	_ =	strace $0x9FFFFFFF  }
0xc1: {  	(tm) =	ssettm $0x7FFFFFFF  }
tec
execute0_lowered:
.L_overlay_start_1:
0x0: {  	(tag) =	ssettag $0x1  }
0x1: {  	s4 =	rddreg [dreg:$0x0]  }
0x2: {  	s0 =	rddreg [dreg:$0x1];
	s2 =	simm.s32 $0x0;
	s1 =	stileid.u32  }
0x3: {  	s3 =	srdreg.scid;
	s10 =	simm.s32 $0x0;
	s6 =	smul.u32 $0x5000, s1  }
0x4: {  	[smem:$0x7FF] =	sst s2;
	s5 =	sand.u32 $0x1, s3;
	s8 =	smul.u32 $0x50000, s1  }
0x5: {  	s3 =	sadd.s32 $0x282000, s4;
	s7 =	smul.u32 $0x2800, s5;
	s9 =	ssub.s32 $0x2, s5  }
0x6: {  	_ =	strace $0x80000050;
	s5 =	smul.u32 $0x28000, s5;
	s30 =	sshrl.u32 s9, $0x1  }
0x7: {  	s8 =	sadd.s32 s8, s4;
	s6 =	sadd.s32 s7, s6;
	s7 =	ssub.s32 s9, s30  }
0x8: {  	s31 =	sadd.s32 s5, s8;
	s8 =	simm.s32 $0x280;
	s6 =	sshrl.u32 s6, $0x3  }
0x9: {  	s9 =	simm.s32 $0x1;
	s6 =	sadd.s32 s6, s4;
	s4 =	smax.u32 s7, $0x1  }
0xa: {  	s7 =	simm.s32 $0x2;
	s5 =	sadd.s32 $0x40000, s6;
	s6 =	sadd.s32 $0x2C2000, s31  }
.LBB2_1:
0xb: {  	s11 =	sadd.s32 $0x0, s5  }
0xc: {  	[tilespmem:s2], [sflag:$0x2] =	stream.linear.gather [hbm4b:s11+s2], $0x280, $0x38;
	[tilespmem:$0x14280] =	vst v63  }
0xd: {  	_ =	swait.ge [sflag:s7], $0x280  }
0xe: {  	[sflag:s7] =	ssyncset.done $0x0  }
0xf: {  	[sflag:s7] =	ssyncadd.s32 $0xFFFFFD80  }
0x10: {  	[tilespmem:s8], [sflag:$0x1] =	stream.indirect.gather [hbm4b:s3+s8], $0x80, s2, s8, $0xb8;
	[tilespmem:$0x14280] =	vst v63  }
0x11: {  	_ =	swait.ge [sflag:s9], $0x14000  }
0x12: {  	[sflag:s9] =	ssyncset.done $0x0  }
0x13: {  	[sflag:s9] =	ssyncadd.s32 $0xFFFEC000  }
0x14: {  	[hbm4b:s6+s2] =	stream.linear.scatter [tilespmem:s8], [sflag:$0x2], $0x14000, $0x38;
	[tilespmem:$0x14280] =	vst v63  }
0x15: {  	s12 =	simm.s32 $0x50;
	_ =	swait.ge [sflag:s7], $0x14000  }
0x16: {  	s13 =	simm.s32 $0xA0;
	s11 =	sadd.s32 $0x2800, s6;
	[sflag:s7] =	ssyncset.done $0x0  }
.LBB2_2:
0x17: {  	s14 =	sadd.s32 s12, s5  }
0x18: {  	[sflag:s7] =	ssyncadd.s32 $0xFFFEC000;
	s12 =	smov.u32 s13;
	s15 =	sadd.s32 $0x50, s13  }
0x19: {  	[tilespmem:s2], [sflag:$0x2] =	stream.linear.gather [hbm4b:s14+s2], $0x280, $0x38;
	[tilespmem:$0x14280] =	vst v63  }
0x1a: {  	p0 =	sne.s32 s13, $0x4B0;
	_ =	swait.ge [sflag:s7], $0x280  }
0x1b: {  	[sflag:s7] =	ssyncset.done $0x0  }
0x1c: {  	[sflag:s7] =	ssyncadd.s32 $0xFFFFFD80  }
0x1d: {  	[tilespmem:s8], [sflag:$0x1] =	stream.indirect.gather [hbm4b:s3+s8], $0x80, s2, s8, $0xb8;
	[tilespmem:$0x14280] =	vst v63  }
0x1e: {  	_ =	swait.ge [sflag:s9], $0x14000  }
.Ltmp0:
0x1f: {  	[sflag:s9] =	ssyncset.done $0x0;
	(pc) =	sbr.rel @p0 .LBB2_2-.Ltmp0, $4  }
0x20: {  	[sflag:s9] =	ssyncadd.s32 $0xFFFEC000  }
0x21: {  	[hbm4b:s11+s2] =	stream.linear.scatter [tilespmem:s8], [sflag:$0x2], $0x14000, $0x38;
	[tilespmem:$0x14280] =	vst v63  }
0x22: {  	_ =	swait.ge [sflag:s7], $0x14000  }
0x23: {  	s13 =	smov.u32 s15;
	s11 =	sadd.s32 $0x2800, s11;
	[sflag:s7] =	ssyncset.done $0x0  }
0x24: {  	s12 =	sadd.s32 s12, s5;
	[sflag:s7] =	ssyncadd.s32 $0xFFFEC000  }
0x25: {  	[tilespmem:s2], [sflag:$0x2] =	stream.linear.gather [hbm4b:s12+s2], $0x280, $0x38;
	[tilespmem:$0x14280] =	vst v63  }
0x26: {  	_ =	swait.ge [sflag:s7], $0x280  }
0x27: {  	[sflag:s7] =	ssyncset.done $0x0  }
0x28: {  	[sflag:s7] =	ssyncadd.s32 $0xFFFFFD80  }
0x29: {  	[tilespmem:s8], [sflag:$0x1] =	stream.indirect.gather [hbm4b:s3+s8], $0x80, s2, s8, $0xb8;
	[tilespmem:$0x14280] =	vst v63  }
0x2a: {  	s10 =	sadd.s32 $0x1, s10;
	_ =	swait.ge [sflag:s9], $0x14000  }
0x2b: {  	p0 =	sne.s32 s10, s4;
	[sflag:s9] =	ssyncset.done $0x0  }
.Ltmp1:
0x2c: {  	[sflag:s9] =	ssyncadd.s32 $0xFFFEC000;
	(pc) =	sbr.rel @p0 .LBB2_1-.Ltmp1, $4  }
0x2d: {  	[hbm4b:s11+s2] =	stream.linear.scatter [tilespmem:s8], [sflag:$0x2], $0x14000, $0x38;
	[tilespmem:$0x14280] =	vst v63  }
0x2e: {  	_ =	swait.ge [sflag:s7], $0x14000  }
0x2f: {  	[sflag:s7] =	ssyncset.done $0x0  }
0x30: {  	[sflag:s7] =	ssyncadd.s32 $0xFFFEC000  }
0x31: {  	_ =	sfence.sel $0x180000  }
0x32: {  	[bflag:$0x0] =	sbarrier.arrive $0xFFFF  }
0x33: {  	p0 =	sne.s32 s1, $0x0;
	_ =	strace $0x90000050  }
0x34: {  	s0 =	sadd.s32 @!p0 $0x100000, s0;
	[bflag:$0x2] =	sbarrier.arrive $0xFFFF  }
0x35: {  	[sflag:s0] =	ssyncadd.tile.s32 @!p0 $0x1;
	_ =	shalt  }
.Lfunc_end2:
_tile_overlayer_lowered:
.L_overlay_start_2:
0x36: {  	(tag) =	ssettag $0x2  }
0x37: {  	s0 =	rddreg [dreg:$0x0];
	s2 =	stileid.u32  }
0x38: {  	s1 =	rddreg [dreg:$0x1];
	p0 =	sne.s32 s2, $0x0  }
0x39: {  	s3 =	rddreg [dreg:$0x2];
	[bflag:$0x3] =	sbarrier.arrive $0xFFFF;
	s2 =	simm.s32 @!p0 $0x1C02  }
0x3a: {  	[timem:s3], [sflag:s2] =	dma.local @!p0 [hbm:s0], s1  }
0x3b: {  	s0 =	simm.s32 @!p0 $0x2  }
0x3c: {  	_ =	swait.ge @!p0 [sflag:s0], s1  }
0x3d: {  	s1 =	ssub.s32 @!p0 $0x0, s1;
	[sflag:s0] =	ssyncset.done @!p0 $0x0  }
0x3e: {  	[sflag:s0] =	ssyncadd.s32 @!p0 s1  }
0x3f: {  	[bflag:$0x3] =	sbarrier.arrive $0xFFFF  }
0x40: {  	_ =	shalt  }

// kernel: sparse-core-data-format-call.cloned.1.call-start
scs
called_computation_lowered:
.L_overlay_start_0:
0x0: {  	s1 =	sld [smem:$0x3FD9]  }
0x1: {  	s2 =	sld [smem:$0x3FFE];
	_ =	sdelay $0x1  }
0x2: {  	s3 =	srdreg.scid  }
0x3: {  	s0 =	sand.u32 $0x1, s3  }
0x4: {  	s17 =	sshll.u32 s0, $0xA;
	s1 =	sadd.s32 s2, s1  }
0x5: {  	s1 =	sadd.s32 s1, s17  }
0x6: {  	[smem:$0x3FB5] =	sst s1  }
0x7: {  	_ = 	snop  }
0x8: {  	(tm) =	ssettm $0x1  }
0x9: {  	s18 =	sld [smem:$0x3FFB];
	_ =	sdelay $0x3  }
0xa: {  	_ =	strace s18  }
0xb: {  	s1 =	sld [smem:$0x3FFC];
	_ =	sdelay $0x3  }
0xc: {  	_ =	strace s1  }
0xd: {  	s1 =	sld [smem:$0x3FFD];
	_ =	sdelay $0x3  }
0xe: {  	_ =	strace s1  }
0xf: {  	_ =	strace $0x8FFFFFFF  }
0x10: {  	s19 =	sld [smem:$0x3FDB];
	_ =	sdelay $0x1  }
0x11: {  	s20 =	simm.s32 $_scs_section_size  }
0x12: {  	s4 =	simm.s32 $_size__tile_overlayer_lowered;
	s5 =	simm.s32 $_tile_overlayer_lowered  }
0x13: {  	s23 =	simm.s32 $0x1BFF;
	s22 =	sshll.u32 s5, $0x1;
	s1 =	sadd.s32 s20, s19  }
0x14: {  	s6 =	simm.s32 $0x0;
	s21 =	sshll.u32 s4, $0x1;
	s4 =	sadd.s32 s22, s1  }
0x15: {  	[timem:s6], [sflag:s23] =	dma.local [hbm:s4], s21  }
0x16: {  	_ =	swait.ge [sflag:s23], s21  }
0x17: {  	s2 =	ssub.s32 $0x0, s21;
	[sflag:s23] =	ssyncset.done $0x0  }
0x18: {  	[sflag:s23] =	ssyncadd.s32 s2;
	_ =	sdelay $0x1  }
0x19: {  	s24 =	simm.s32 $0x1B8B  }
0x1a: {  	_ =	swait.ge [sflag:s24], $0x1  }
0x1b: {  	[sflag:s24] =	ssyncset.done $0x0  }
0x1c: {  	s26 =	simm.s32 $0x1B8E;
	s25 =	sld [smem:$0x3FFE];
	[sflag:s24] =	ssyncadd.s32 $0xFFFFFFFF  }
0x1d: {  	s27 =	simm.s32 $execute0_lowered;
	[smem:$0x3FD2] =	sst s26  }
0x1e: {  	s4 =	sshll.u32 s27, $0x1;
	_ =	strace $0x80000049;
	[dreg:$0x1] =	wrdreg $0xFFFFFFFF  }
0x1f: {  	s28 =	simm.s32 $_size_execute0_lowered;
	s1 =	sadd.s32 s1, s4;
	[dreg:$0x0] =	wrdreg $0x0  }
0x20: {  	s4 =	sshll.u32 s28, $0x1;
	[dreg:$0x2] =	wrdreg s1  }
0x21: {  	[dreg:$0x3] =	wrdreg s4  }
0x22: {  	[dreg:$0x4] =	wrdreg $0xC0  }
0x23: {  	_ =	task [dreg:s6], $0x5FFFF  }
0x24: {  	[dreg:$0x1] =	wrdreg $0xFFFFFFFF  }
0x25: {  	[dreg:$0x0] =	wrdreg $0x60  }
0x26: {  	[dreg:$0x2] =	wrdreg s25  }
0x27: {  	[dreg:$0x3] =	wrdreg $0x9  }
0x28: {  	_ =	task.clear_ibuf [dreg:s6], $0x4FFFF;
	_ =	strace $0x90000049  }
0x29: {  	s29 =	simm.s32 $0x9;
	_ =	strace $0x8000004B  }
0x2a: {  	_ =	swait.ge [sflag:s29], $0x1  }
0x2b: {  	[sflag:s29] =	ssyncadd.s32 $0xFFFFFFFF  }
0x2c: {  	_ =	strace $0x9000004B  }
0x2d: {  	_ =	sfence  }
0x2e: {  	s30 =	sld [smem:$0x0];
	_ =	sdelay $0x2  }
0x2f: {  	s31 =	sshll.u32 s3, $0xD;
	s3 =	sshrl.u32 s3, $0x2  }
0x30: {  	s2 =	sand.u32 $0x4000, s31;
	s1 =	sadd.s32 s3, s30  }
0x31: {  	s0 =	sor.u32 s2, s0;
	s1 =	sshll.u32 s1, $0x11  }
0x32: {  	s0 =	sor.u32 s1, s0  }
0x33: {  	s0 =	sadd.s32 $0x8F2B, s0  }
0x34: {  	[sflag:s0] =	ssyncadd.remote.s32 $0x1  }
0x35: {  	_ =	sfence.sel $0xFFFF  }
0x36: {  	[dreg:$0x0] =	wrdreg $0xFFFFFFFF;
	(pc) =	sbr.abs _section_cstart, $3  }
0x37: {  	[dreg:$0x1] =	wrdreg $0xFFFFFFFF  }
0x38: {  	_ =	task.clear_ibuf [dreg:s6], $0x2FFFF;
	_ =	strace $0x9FFFFFFF  }
0x39: {  	(tm) =	ssettm $0x7FFFFFFF  }
tec
execute0_lowered:
.L_overlay_start_1:
0x0: {  	(tag) =	ssettag $0x1  }
0x1: {  	s0 =	srdreg.scid;
	s2 =	rddreg [dreg:$0x0];
	s7 =	simm.s32 $0x2  }
0x2: {  	s14 =	simm.s32 $0x0;
	p0 =	por $0x0, $0x0;
	s0 =	sshll.u32 s0, $0x7  }
0x3: {  	s8 =	simm.s32 $0x2000;
	s13 =	simm.s32 $0x0;
	s1 =	sand.u32 $0x80, s0  }
0x4: {  	s15 =	simm.s32 $0x0;
	s9 =	simm.s32 $0x0;
	s3 =	ssub.s32 $0x400, s1  }
0x5: {  	s11 =	stileid.u32;
	s12 =	simm.s32 $0x0;
	s4 =	sshrl.u32 s3, $0x7  }
.Ltmp0:
0x6: {  	s5 =	sshrl.u32 s3, $0x8;
	s6 =	sand.u32 $0x1, s4;
	(pc) =	sbr.rel .LBB1_1-.Ltmp0, $4  }
0x7: {  	s0 =	rddreg [dreg:$0x1];
	_ =	strace $0x8000004A;
	s5 =	sadd.s32 s5, s6  }
0x8: {  	s10 =	smov.u32 s1;
	s4 =	simm.s32 $0x1;
	s5 =	smul.u32 $0x14, s5  }
0x9: {  	s3 =	sadd.s32 $0x50C000, s2;
	[sflag:s4] =	ssyncpa.u1 $0x0;
	s6 =	sadd.s32 $0x282000, s2  }
0xa: {  	s2 =	stileid.u32;
	[sflag:s7] =	ssyncpa.u1 $0x0;
	s7 =	sor.u32 $0x1, s5  }
.LBB1_4:
0xb: {  	s15 =	smul.u32 $0x28000, s15;
	_ =	sdelay $0x1  }
0xc: {  	s18 =	sand.u32 $0x1F80, s13;
	s14 =	sshll.u32 s14, $0xD;
	s15 =	sadd.s32 s6, s15  }
0xd: {  	[tilespmem:s17+$0x810 ss:$0x81] =	vst.msk $0xffff, v2;
	s19 =	sshrl.u32 s13, $0x3;
	s30 =	sand.u32 $0x7, s13;
	s15 =	sadd.s32 s18, s15  }
0xe: {  	[tilespmem:s17+$0x1020 ss:$0x81] =	vst.msk $0xffff, v0;
	s31 =	sand.u32 $0xF, s19;
	s13 =	sshll.u32 s30, $0x12;
	s14 =	sadd.s32 s14, s15  }
0xf: {  	[tilespmem:s17+$0x0 ss:$0x81] =	vst.msk $0xffff, v1;
	s13 =	sor.u32 $0x400, s13;
	s14 =	sadd.s32 s31, s14  }
0x10: {  	[hbm4b:s14+s13] =	stream.strided.scatter [tilespmem:s16], [sflag:$0x2], $0x2000, s8, s13, $0x20;
	[tilespmem:$0x8080] =	vst v63  }
.LBB1_5:
0x11: {  	s16 =	sadd.s32 $0x1, s9  }
0x12: {  	s13 =	sadd.s32 $0x100, s10;
	s17 =	smov.u32 s10;
	p2 =	sgt.s32 s16, $0x13  }
0x13: {  	s17 =	smov.u32 @p2 s13  }
0x14: {  	s19 =	smov.u32 s11;
	s13 =	sadd.s32 $0x10, s11;
	p3 =	sgt.s32 s17, $0x3FF  }
0x15: {  	s19 =	smov.u32 @p3 s13  }
0x16: {  	s16 =	simm.s32 @p2 $0x0;
	p2 =	sgt.s32 s19, $0xF  }
0x17: {  	p1 =	slt.u32 s12, $0x2;
	s19 =	smov.u32 @p2 s2;
	p2 =	sne.s32 s12, s7  }
.Ltmp1:
0x18: {  	s18 =	simm.s32 @!p1 $0x2;
	(pc) =	sbr.rel @!p2 .LBB1_6-.Ltmp1, $4  }
0x19: {  	s14 =	smov.u32 s9;
	s15 =	smov.u32 s11;
	_ =	swait.ge @!p1 [sflag:s18], $0x2000  }
0x1a: {  	p0 =	por !p0, !p0;
	[sflag:s18] =	ssyncset.done @!p1 $0x0;
	s9 =	smov.u32 s16  }
0x1b: {  	s17 =	smov.u32 @p3 s1;
	s13 =	smov.u32 s10;
	[sflag:s18] =	ssyncadd.s32 @!p1 $0xFFFFE000  }
0x1c: {  	s10 =	smov.u32 s17;
	s12 =	sadd.s32 $0x1, s12;
	s11 =	smov.u32 s19  }
.LBB1_1:
0x1d: {  	p1 =	sge.u32 s12, s5  }
0x1e: {  	s16 =	sand.u32 @!p1 $0x1FFFFFF, s9;
	s18 =	smul.u32 @!p1 $0x60000, s11  }
0x1f: {  	s17 =	smulhi.u32 @!p1 $0xAAAAAAB, s16  }
0x20: {  	s20 =	smul.u32 @!p1 $0x180, s10  }
0x21: {  	s17 =	smul.u32 @!p1 $0x18, s17  }
0x22: {  	s31 =	sadd.s32 $0xFFFFFFFF, s12;
	s18 =	sadd.s32 @!p1 s3, s18  }
0x23: {  	s19 =	sxor.u32 @!p1 $0xFFFFFFFF, s12;
	s18 =	sadd.s32 @!p1 s20, s18;
	s16 =	ssub.s32 @!p1 s16, s17  }
0x24: {  	s17 =	sshll.u32 @!p1 s19, $0xD;
	s19 =	simm.s32 @!p1 $0xC00;
	s16 =	sshll.u32 @!p1 s16, $0x4  }
0x25: {  	s17 =	sand.u32 @!p1 $0x2000, s17;
	s16 =	sadd.s32 @!p1 s16, s18;
	s18 =	simm.s32 @!p1 $0x40  }
0x26: {  	[tilespmem:s17], [sflag:$0x1] =	stream.strided.gather @!p1 [hbm4b:s16+s18], $0x2000, s19, s18, $0x38;
	[tilespmem:$0x8080] =	vst v63  }
0x27: {  	p1 =	sge.u32 s31, s5  }
.Ltmp2:
0x28: {  	_ = 	snop;
	(pc) =	sbr.rel @p1 .LBB1_5-.Ltmp2, $1  }
0x29: {  	_ =	sdelay $0x3  }
0x2a: {  	s16 =	simm.s32 $0x1  }
0x2b: {  	_ =	swait.ge [sflag:s4], $0x2000;
	s16 =	simm.s32 @!p0 $0x0  }
0x2c: {  	[sflag:s4] =	ssyncset.done $0x0;
	s17 =	sshll.u32 s16, $0xD  }
0x2d: {  	[sflag:s4] =	ssyncadd.s32 $0xFFFFE000;
	s20 =	sor.u32 $0x20, s17  }
0x2e: {  	s16 =	smul.u32 $0x8100, s16;
	v3 =	vld [tilespmem:s20+$0x10]  }
0x2f: {  	s30 =	sand.u32 $0x1, s12;
	v2 =	vld [tilespmem:s20+$0xFFFFFFF0]  }
0x30: {  	s17 =	smul.u32 $0x8100, s30;
	s16 =	sshrl.u32 s16, $0x2;
	v0 =	vld [tilespmem:s20+$0x0]  }
0x31: {  	v1 =	vld [tilespmem:s20+$0xFFFFFFE0];
	s18 =	sor.u32 $0x4000, s16  }
0x32: {  	s31 =	sshrl.u32 s17, $0x2;
	s17 =	sadd.s32 $0x0, s18  }
0x33: {  	s19 =	simm.s32 $0x4;
	s20 =	sadd.s32 $0x40, s20;
	s16 =	sor.u32 $0x4000, s31;
	[tilespmem:s17+$0x1830 ss:$0x81] =	vst.msk $0xffff, v3  }
.LBB1_3:
0x34: {  	v3 =	vld [tilespmem:s20+$0x10];
	p1 =	sne.s32 s19, $0x1FC;
	[tilespmem:s17+$0x810 ss:$0x81] =	vst.msk $0xffff, v2;
	s21 =	smov.u32 s19;
	s19 =	sadd.s32 $0x4, s19  }
.Ltmp3:
0x35: {  	v2 =	vld [tilespmem:s20+$0xFFFFFFF0];
	[tilespmem:s17+$0x1020 ss:$0x81] =	vst.msk $0xffff, v0;
	(pc) =	sbr.rel @p1 .LBB1_3-.Ltmp3, $4  }
0x36: {  	v0 =	vld [tilespmem:s20+$0x0];
	[tilespmem:s17+$0x0 ss:$0x81] =	vst.msk $0xffff, v1  }
0x37: {  	s17 =	sshra.s32 s21, $0x2;
	v1 =	vld [tilespmem:s20+$0xFFFFFFE0]  }
0x38: {  	s17 =	sadd.s32 s17, s18  }
0x39: {  	s20 =	sadd.s32 $0x40, s20;
	[tilespmem:s17+$0x1830 ss:$0x81] =	vst.msk $0xffff, v3  }
.Ltmp4:
0x3a: {  	_ = 	snop;
	(pc) =	sbr.rel .LBB1_4-.Ltmp4, $1  }
0x3b: {  	_ =	sdelay $0x3  }
.LBB1_6:
0x3c: {  	_ =	sfence.sel $0x180000  }
0x3d: {  	s1 =	simm.s32 $0x1;
	[bflag:$0x0] =	sbarrier.arrive $0xFFFF  }
0x3e: {  	s31 =	simm.s32 $0x2;
	[sflag:s1] =	ssyncpa.u1 $0x1  }
0x3f: {  	[sflag:s31] =	ssyncpa.u1 $0x1  }
0x40: {  	p0 =	sne.s32 s2, $0x0;
	_ =	strace $0x9000004A  }
0x41: {  	s0 =	sadd.s32 @!p0 $0x100000, s0;
	[bflag:$0x2] =	sbarrier.arrive $0xFFFF  }
0x42: {  	[sflag:s0] =	ssyncadd.tile.s32 @!p0 $0x1;
	_ =	shalt  }
.Lfunc_end1:
_tile_overlayer_lowered:
.L_overlay_start_2:
0x43: {  	(tag) =	ssettag $0x2  }
0x44: {  	s0 =	rddreg [dreg:$0x0];
	s2 =	stileid.u32  }
0x45: {  	s1 =	rddreg [dreg:$0x1];
	p0 =	sne.s32 s2, $0x0  }
0x46: {  	s3 =	rddreg [dreg:$0x2];
	[bflag:$0x3] =	sbarrier.arrive $0xFFFF;
	s2 =	simm.s32 @!p0 $0x1C01  }
0x47: {  	[timem:s3], [sflag:s2] =	dma.local @!p0 [hbm:s0], s1  }
0x48: {  	s0 =	simm.s32 @!p0 $0x1  }
0x49: {  	_ =	swait.ge @!p0 [sflag:s0], s1  }
0x4a: {  	s1 =	ssub.s32 @!p0 $0x0, s1;
	[sflag:s0] =	ssyncset.done @!p0 $0x0  }
0x4b: {  	[sflag:s0] =	ssyncadd.s32 @!p0 s1  }
0x4c: {  	[bflag:$0x3] =	sbarrier.arrive $0xFFFF  }
0x4d: {  	_ =	shalt  }

</sc_bundles>
